<compile_context>
chip_gen: v7x
topology: tpu7x:2x2x1
jax: 0.10.2.dev20260603
libtpu: 0.0.44.dev20260713+nightly
codegen_flags: <defaults>
</compile_context>

<pallas_src>
import jax
import jax.numpy as jnp
from jax import lax
from jax.experimental import pallas as pl
from jax.experimental.pallas import tpu as pltpu
from jax.experimental.pallas import tpu_sc as plsc

N = 10000
E = 320000
D = 128

NC = 2
NS = 16
DH = D // NC
CH = 125
NCH = (E // NS) // CH
NB = 2
NP = 10240
RPT = NP // NS
ZB = 128
DEGW = 16
WIN = (0, 16, 32, 48, 64, 80, 96, CH - 16)


def _sc_segment_sum(with_deg: bool):
    mesh = plsc.VectorSubcoreMesh(core_axis_name="c", subcore_axis_name="s")

    out_type = [jax.ShapeDtypeStruct((NC, NP, DH), jnp.float32)]
    if with_deg:
        out_type.append(jax.ShapeDtypeStruct((NC, NP, DEGW), jnp.float32))

    scratch = [
        pltpu.VMEM((NCH, CH), jnp.int32),
        pltpu.VMEM((NCH, CH), jnp.int32),
        pltpu.VMEM((NB, CH, DH), jnp.float32),
        pltpu.VMEM((ZB, DH), jnp.float32),
        pltpu.VMEM((CH, DEGW), jnp.float32),
        pltpu.VMEM((ZB, DEGW), jnp.float32),
        pltpu.VMEM_SHARED((NP, DH), jnp.float32),
        pltpu.VMEM_SHARED((NP, DEGW), jnp.float32),
    ] + [pltpu.SemaphoreType.DMA] * (2 * NB)

    def body(table, src2, dst2, *rest):
        if with_deg:
            out, degout = rest[0], rest[1]
            scr = rest[2:]
        else:
            out = rest[0]
            scr = rest[1:]
        gidx, dstv, rows, zrows, ones, zeros, acc, dacc = scr[:8]
        gsem = scr[8:8 + NB]
        ssem = scr[8 + NB:8 + 2 * NB]

        cid = lax.axis_index("c")
        sid = lax.axis_index("s")
        deg_lo = cid * (NCH // 2)
        deg_hi = deg_lo + (NCH // 2)

        pltpu.sync_copy(src2.at[sid], gidx)
        pltpu.sync_copy(dst2.at[sid], dstv)

        zero16 = jnp.zeros((16,), jnp.float32)
        one16 = jnp.ones((16,), jnp.float32)

        def fill_ones(i, _):
            ones[i, :] = one16
            return 0

        def fill_zeros(i, _):
            zeros[i, :] = zero16
            for j in range(DH // 16):
                zrows[i, pl.ds(16 * j, 16)] = zero16
            return 0

        lax.fori_loop(0, CH, fill_ones, 0)
        lax.fori_loop(0, ZB, fill_zeros, 0)

        def fill_gidx(i, _):
            tail = gidx[i, pl.ds(CH - 16, 16)]
            for o in WIN[:-1]:
                v = gidx[i, pl.ds(o, 16)]
                gidx[i, pl.ds(o, 16)] = v + v + cid
            gidx[i, pl.ds(CH - 16, 16)] = tail + tail + cid
            return 0

        lax.fori_loop(0, NCH, fill_gidx, 0)

        for k in range(RPT // ZB):
            pltpu.sync_copy(zrows, acc.at[pl.ds(sid * RPT + k * ZB, ZB)])
            if with_deg:
                pltpu.sync_copy(zeros, dacc.at[pl.ds(sid * RPT + k * ZB, ZB)])
        plsc.subcore_barrier()

        def gather(j, b):
            pltpu.async_copy(table.at[gidx.at[j]], rows.at[b], gsem[b])

        def wait_gather(j, b):
            pltpu.make_async_copy(table.at[gidx.at[j]], rows.at[b], gsem[b]).wait()

        def scatter(j, b):
            pltpu.async_copy(rows.at[b], acc.at[dstv.at[j]], ssem[b], add=True)
            if with_deg:
                @pl.when(jnp.logical_and(j >= deg_lo, j < deg_hi))
                def _():
                    pltpu.sync_copy(ones, dacc.at[dstv.at[j]], add=True)

        def wait_scatter(j, b):
            pltpu.make_async_copy(rows.at[b], acc.at[dstv.at[j]], ssem[b]).wait()

        for b in range(NB):
            gather(b, b)

        def step(g, _):
            j0 = NB * g
            for b in range(NB):
                j = j0 + b
                wait_gather(j, b)
                scatter(j, b)

                @pl.when(j + NB < NCH)
                def _():
                    wait_scatter(j, b)
                    gather(jnp.minimum(j + NB, NCH - 1), b)
            return 0

        lax.fori_loop(0, NCH // NB, step, 0)

        for b in range(NB):
            wait_scatter(NCH - NB + b, b)
        plsc.subcore_barrier()

        pltpu.sync_copy(acc.at[pl.ds(sid * RPT, RPT)],
                        out.at[cid, pl.ds(sid * RPT, RPT)])
        if with_deg:
            pltpu.sync_copy(dacc.at[pl.ds(sid * RPT, RPT)],
                            degout.at[cid, pl.ds(sid * RPT, RPT)])


    return pl.kernel(
        body,
        out_type=out_type,
        mesh=mesh,
        scratch_types=scratch,
        compiler_params=pltpu.CompilerParams(use_tc_tiling_on_sc=False),
    )


def _tc_self():
    R = 2000

    def body(x_ref, ws_ref, b_ref, o_ref):
        o_ref[...] = (
            jnp.dot(x_ref[...], ws_ref[...], precision=lax.Precision.HIGHEST,
                    preferred_element_type=jnp.float32)
            + b_ref[...]
        )

    return pl.pallas_call(
        body,
        grid=(N // R,),
        in_specs=[
            pl.BlockSpec((R, D), lambda i: (i, 0)),
            pl.BlockSpec((D, D), lambda i: (0, 0)),
            pl.BlockSpec((1, D), lambda i: (0, 0)),
        ],
        out_specs=pl.BlockSpec((R, D), lambda i: (i, 0)),
        out_shape=jax.ShapeDtypeStruct((N, D), jnp.float32),
    )


def _tc_combine(apply_relu: bool):
    R = 2000

    def body(xw_ref, p_ref, d_ref, wn_ref, o_ref):
        p = p_ref[...]
        summed = jnp.concatenate([p[0], p[1]], axis=-1)
        d = d_ref[0, :, 0:1] + d_ref[1, :, 0:1]
        mean = summed * (1.0 / jnp.maximum(d, 1.0))
        y = xw_ref[...] + jnp.dot(
            mean, wn_ref[...], precision=lax.Precision.HIGHEST,
            preferred_element_type=jnp.float32)
        if apply_relu:
            y = jnp.maximum(y, 0.0)
        o_ref[...] = y

    return pl.pallas_call(
        body,
        grid=(N // R,),
        in_specs=[
            pl.BlockSpec((R, D), lambda i: (i, 0)),
            pl.BlockSpec((NC, R, DH), lambda i: (0, i, 0)),
            pl.BlockSpec((NC, R, DEGW), lambda i: (0, i, 0)),
            pl.BlockSpec((D, D), lambda i: (0, 0)),
        ],
        out_specs=pl.BlockSpec((R, D), lambda i: (i, 0)),
        out_shape=jax.ShapeDtypeStruct((N, D), jnp.float32),
    )


_seg_sum_deg = _sc_segment_sum(with_deg=True)
_seg_sum = _sc_segment_sum(with_deg=False)
_self_mm = _tc_self()
_combine_relu = _tc_combine(apply_relu=True)
_combine_lin = _tc_combine(apply_relu=False)


def kernel(x, edge_index, W_self1, W_neigh1, b1, W_self2, W_neigh2, b2):
    src2 = edge_index[0].astype(jnp.int32).reshape(NS, NCH, CH)
    dst2 = edge_index[1].astype(jnp.int32).reshape(NS, NCH, CH)
    b1r = b1.reshape(1, D)
    b2r = b2.reshape(1, D)

    psum1, deg = _seg_sum_deg(x.reshape(2 * N, DH), src2, dst2)
    xw1 = _self_mm(x, W_self1, b1r)
    h = _combine_relu(xw1, psum1, deg, W_neigh1)
    (psum2,) = _seg_sum(h.reshape(2 * N, DH), src2, dst2)
    hw2 = _self_mm(h, W_self2, b2r)
    out = _combine_lin(hw2, psum2, deg, W_neigh2)
    return out

# --- scband reference (transcript-rebuilt; emitter-appended) ---
"""Pipeline reference for scband-dglsage-42691974922961 (READ-ONLY COPY).

The authoritative reference and input builder live on the scoring server;
editing this copy changes nothing except your own understanding.
"""

import jax, jax.numpy as jnp
import numpy as np

N = 10000
E = 320000
D_IN = 128
D_HID = 128
D_OUT = 128

def setup_inputs(seed: int = 0) -> dict:
    key = jax.random.key(seed)
    ks = jax.random.split(key, 9)
    x = jax.random.normal(ks[0], (N, D_IN), dtype=jnp.float32)
    edge_index = jax.random.randint(ks[1], (2, E), 0, N, dtype=jnp.int64)
    s1 = 1.0 / np.sqrt(D_IN)
    s2 = 1.0 / np.sqrt(D_HID)
    W_self1 = jax.random.uniform(ks[2], (D_IN, D_HID), dtype=jnp.float32, minval=-s1, maxval=s1)
    W_neigh1 = jax.random.uniform(ks[3], (D_IN, D_HID), dtype=jnp.float32, minval=-s1, maxval=s1)
    b1 = jnp.zeros((D_HID,), dtype=jnp.float32)
    W_self2 = jax.random.uniform(ks[4], (D_HID, D_OUT), dtype=jnp.float32, minval=-s2, maxval=s2)
    W_neigh2 = jax.random.uniform(ks[5], (D_HID, D_OUT), dtype=jnp.float32, minval=-s2, maxval=s2)
    b2 = jnp.zeros((D_OUT,), dtype=jnp.float32)
    return {"x": x, "edge_index": edge_index, "W_self1": W_self1, "W_neigh1": W_neigh1, "b1": b1, "W_self2": W_self2, "W_neigh2": W_neigh2, "b2": b2}

def _sage_conv(x, src, dst, W_self, W_neigh, b):
    # DGL SAGEConv with aggregator_type='mean':
    # h_neigh = mean over incoming neighbors of x[src]; out = x @ W_self + h_neigh @ W_neigh + b
    msgs = jnp.take(x, src, axis=0)
    summed = jax.ops.segment_sum(msgs, dst, num_segments=N)
    deg = jax.ops.segment_sum(jnp.ones((src.shape[0],), dtype=x.dtype), dst, num_segments=N)
    mean = summed / jnp.clip(deg, 1.0, None)[:, None]
    return x @ W_self + mean @ W_neigh + b

def reference(x, edge_index, W_self1, W_neigh1, b1, W_self2, W_neigh2, b2):
    src = edge_index[0]
    dst = edge_index[1]
    h = _sage_conv(x, src, dst, W_self1, W_neigh1, b1)
    h = jax.nn.relu(h)
    out = _sage_conv(h, src, dst, W_self2, W_neigh2, b2)
    return out

if __name__ == "__main__":
    import jax
    _d = setup_inputs()
    print(jax.jit(kernel)(*tuple(_d.values())))

</pallas_src>

<mosaic_0001>
#map = affine_map<(d0, d1) -> (0, 0)>
#map1 = affine_map<(d0, d1) -> (0, 0, 0)>
module attributes {stable_mosaic.version = 14 : i64} {
  func.func @body(%arg0: i32, %arg1: i32, %arg2: memref<20000x64xf32, #tpu.memory_space<hbm>>, %arg3: memref<16x160x125xi32, #tpu.memory_space<hbm>>, %arg4: memref<16x160x125xi32, #tpu.memory_space<hbm>>, %arg5: memref<2x10240x64xf32, #tpu.memory_space<hbm>>, %arg6: memref<160x125xi32, #tpu.memory_space<vmem>>, %arg7: memref<160x125xi32, #tpu.memory_space<vmem>>, %arg8: memref<2x125x64xf32, #tpu.memory_space<vmem>>, %arg9: memref<128x64xf32, #tpu.memory_space<vmem>>, %arg10: memref<125x16xf32, #tpu.memory_space<vmem>>, %arg11: memref<128x16xf32, #tpu.memory_space<vmem>>, %arg12: memref<10240x64xf32, #tpu.memory_space<vmem_shared>>, %arg13: memref<10240x16xf32, #tpu.memory_space<vmem_shared>>, %arg14: memref<!tpu.dma_semaphore, #tpu.memory_space<semaphore_mem>>, %arg15: memref<!tpu.dma_semaphore, #tpu.memory_space<semaphore_mem>>, %arg16: memref<!tpu.dma_semaphore, #tpu.memory_space<semaphore_mem>>, %arg17: memref<!tpu.dma_semaphore, #tpu.memory_space<semaphore_mem>>) attributes {dimension_semantics = [#tpu.dimension_semantics<core_parallel>, #tpu.dimension_semantics<subcore_parallel>], iteration_bounds = array<i64: 2, 16>, scalar_prefetch = 0 : i64, scratch_operands = 12 : i64, tpu.core_type = #tpu.core_type<sc_vector_subcore>, window_params = [{transform_indices = #map}, {transform_indices = #map1}, {transform_indices = #map1}, {transform_indices = #map1}]} {
    %mul3A = arith.constant 80 : i32
    %mul3A_0 = arith.muli %arg0, %mul3A : i32
    %add3A = arith.constant 80 : i32
    %add3A_1 = arith.addi %mul3A_0, %add3A : i32
    "tpu.region"() ({
      %run_scoped3A = tpu.sem_alloc : memref<!tpu.dma_semaphore, #tpu.memory_space<semaphore_mem>>
      %dma_start3A_103 = arith.constant 0 : i32
      %dma_start3A_104 = arith.constant 0 : i32
      %dma_start3A_105 = tpu.memref_slice %arg3[%arg1, %dma_start3A_103, %dma_start3A_104] : memref<16x160x125xi32, #tpu.memory_space<hbm>> -> memref<1x160x125xi32, #tpu.memory_space<hbm>>
      %dma_start3A_106 = tpu.memref_squeeze %dma_start3A_105 : memref<1x160x125xi32, #tpu.memory_space<hbm>> -> memref<160x125xi32, #tpu.memory_space<hbm>>
      %dma_start3A_107 = arith.constant 0 : i32
      %dma_start3A_108 = arith.constant 0 : i32
      %dma_start3A_109 = tpu.memref_slice %arg3[%arg1, %dma_start3A_107, %dma_start3A_108] : memref<16x160x125xi32, #tpu.memory_space<hbm>> -> memref<1x160x125xi32, #tpu.memory_space<hbm>>
      %dma_start3A_110 = tpu.memref_squeeze %dma_start3A_109 : memref<1x160x125xi32, #tpu.memory_space<hbm>> -> memref<160x125xi32, #tpu.memory_space<hbm>>
      tpu.enqueue_dma source(%dma_start3A_110 : memref<160x125xi32, #tpu.memory_space<hbm>>) target(%arg6 : memref<160x125xi32, #tpu.memory_space<vmem>>) target_semaphore(%run_scoped3A : memref<!tpu.dma_semaphore, #tpu.memory_space<semaphore_mem>>)
      %dma_wait3A_111 = arith.constant 0 : i32
      %dma_wait3A_112 = arith.constant 0 : i32
      %dma_wait3A_113 = tpu.memref_slice %arg3[%arg1, %dma_wait3A_111, %dma_wait3A_112] : memref<16x160x125xi32, #tpu.memory_space<hbm>> -> memref<1x160x125xi32, #tpu.memory_space<hbm>>
      %dma_wait3A_114 = tpu.memref_squeeze %dma_wait3A_113 : memref<1x160x125xi32, #tpu.memory_space<hbm>> -> memref<160x125xi32, #tpu.memory_space<hbm>>
      %dma_wait3A_115 = arith.constant 0 : i32
      %dma_wait3A_116 = arith.constant 0 : i32
      %dma_wait3A_117 = tpu.memref_slice %arg3[%arg1, %dma_wait3A_115, %dma_wait3A_116] : memref<16x160x125xi32, #tpu.memory_space<hbm>> -> memref<1x160x125xi32, #tpu.memory_space<hbm>>
      %dma_wait3A_118 = tpu.memref_squeeze %dma_wait3A_117 : memref<1x160x125xi32, #tpu.memory_space<hbm>> -> memref<160x125xi32, #tpu.memory_space<hbm>>
      tpu.wait_dma2 semaphore(%run_scoped3A : memref<!tpu.dma_semaphore, #tpu.memory_space<semaphore_mem>>) src(%dma_wait3A_118 : memref<160x125xi32, #tpu.memory_space<hbm>>) dst(%arg6 : memref<160x125xi32, #tpu.memory_space<vmem>>)
      tpu.yield
    }) : () -> ()
    "tpu.region"() ({
      %run_scoped3A = tpu.sem_alloc : memref<!tpu.dma_semaphore, #tpu.memory_space<semaphore_mem>>
      %dma_start3A_103 = arith.constant 0 : i32
      %dma_start3A_104 = arith.constant 0 : i32
      %dma_start3A_105 = tpu.memref_slice %arg4[%arg1, %dma_start3A_103, %dma_start3A_104] : memref<16x160x125xi32, #tpu.memory_space<hbm>> -> memref<1x160x125xi32, #tpu.memory_space<hbm>>
      %dma_start3A_106 = tpu.memref_squeeze %dma_start3A_105 : memref<1x160x125xi32, #tpu.memory_space<hbm>> -> memref<160x125xi32, #tpu.memory_space<hbm>>
      %dma_start3A_107 = arith.constant 0 : i32
      %dma_start3A_108 = arith.constant 0 : i32
      %dma_start3A_109 = tpu.memref_slice %arg4[%arg1, %dma_start3A_107, %dma_start3A_108] : memref<16x160x125xi32, #tpu.memory_space<hbm>> -> memref<1x160x125xi32, #tpu.memory_space<hbm>>
      %dma_start3A_110 = tpu.memref_squeeze %dma_start3A_109 : memref<1x160x125xi32, #tpu.memory_space<hbm>> -> memref<160x125xi32, #tpu.memory_space<hbm>>
      tpu.enqueue_dma source(%dma_start3A_110 : memref<160x125xi32, #tpu.memory_space<hbm>>) target(%arg7 : memref<160x125xi32, #tpu.memory_space<vmem>>) target_semaphore(%run_scoped3A : memref<!tpu.dma_semaphore, #tpu.memory_space<semaphore_mem>>)
      %dma_wait3A_111 = arith.constant 0 : i32
      %dma_wait3A_112 = arith.constant 0 : i32
      %dma_wait3A_113 = tpu.memref_slice %arg4[%arg1, %dma_wait3A_111, %dma_wait3A_112] : memref<16x160x125xi32, #tpu.memory_space<hbm>> -> memref<1x160x125xi32, #tpu.memory_space<hbm>>
      %dma_wait3A_114 = tpu.memref_squeeze %dma_wait3A_113 : memref<1x160x125xi32, #tpu.memory_space<hbm>> -> memref<160x125xi32, #tpu.memory_space<hbm>>
      %dma_wait3A_115 = arith.constant 0 : i32
      %dma_wait3A_116 = arith.constant 0 : i32
      %dma_wait3A_117 = tpu.memref_slice %arg4[%arg1, %dma_wait3A_115, %dma_wait3A_116] : memref<16x160x125xi32, #tpu.memory_space<hbm>> -> memref<1x160x125xi32, #tpu.memory_space<hbm>>
      %dma_wait3A_118 = tpu.memref_squeeze %dma_wait3A_117 : memref<1x160x125xi32, #tpu.memory_space<hbm>> -> memref<160x125xi32, #tpu.memory_space<hbm>>
      tpu.wait_dma2 semaphore(%run_scoped3A : memref<!tpu.dma_semaphore, #tpu.memory_space<semaphore_mem>>) src(%dma_wait3A_118 : memref<160x125xi32, #tpu.memory_space<hbm>>) dst(%arg7 : memref<160x125xi32, #tpu.memory_space<vmem>>)
      tpu.yield
    }) : () -> ()
    %broadcast_in_dim3A = arith.constant 0.000000e+00 : f32
    %broadcast_in_dim3A_2 = vector.broadcast %broadcast_in_dim3A : f32 to vector<16xf32>
    %broadcast_in_dim3A_3 = arith.constant 1.000000e+00 : f32
    %broadcast_in_dim3A_4 = vector.broadcast %broadcast_in_dim3A_3 : f32 to vector<16xf32>
    %scan3A = arith.constant 0 : i32
    %scan3A_5 = arith.constant 0 : i32
    %scan3A_6 = arith.constant 125 : i32
    %scan3A_7 = arith.addi %scan3A_5, %scan3A_6 : i32
    %scan3A_8 = arith.constant 1 : i32
    %scan3A_9 = scf.for %scan3A_103 = %scan3A_5 to %scan3A_7 step %scan3A_8 iter_args(%scan3A_104 = %scan3A) -> (i32)  : i32 {
      %swap3A = arith.index_cast %scan3A_103 : i32 to index
      %swap3A_105 = arith.constant 0 : index
      %swap3A_106 = tpu.vector_load %arg10[%swap3A, %swap3A_105] {strides = array<i32>} : memref<125x16xf32, #tpu.memory_space<vmem>>, vector<1x16xf32>,
      %swap3A_107 = vector.shape_cast %swap3A_106 : vector<1x16xf32> to vector<16xf32>
      %swap3A_108 = vector.shape_cast %broadcast_in_dim3A_4 : vector<16xf32> to vector<1x16xf32>
      tpu.vector_store %arg10[%swap3A, %swap3A_105], %swap3A_108 {strides = array<i32>} : memref<125x16xf32, #tpu.memory_space<vmem>>, vector<1x16xf32>,
      %scan3A_109 = arith.constant 0 : i32
      scf.yield %scan3A_109 : i32
    }
    %scan3A_10 = arith.constant 125 : i32
    %scan3A_11 = arith.constant 0 : i32
    %scan3A_12 = arith.constant 0 : i32
    %scan3A_13 = arith.constant 128 : i32
    %scan3A_14 = arith.addi %scan3A_12, %scan3A_13 : i32
    %scan3A_15 = arith.constant 1 : i32
    %scan3A_16 = scf.for %scan3A_103 = %scan3A_12 to %scan3A_14 step %scan3A_15 iter_args(%scan3A_104 = %scan3A_11) -> (i32)  : i32 {
      %swap3A = arith.index_cast %scan3A_103 : i32 to index
      %swap3A_105 = arith.constant 0 : index
      %swap3A_106 = tpu.vector_load %arg11[%swap3A, %swap3A_105] {strides = array<i32>} : memref<128x16xf32, #tpu.memory_space<vmem>>, vector<1x16xf32>,
      %swap3A_107 = vector.shape_cast %swap3A_106 : vector<1x16xf32> to vector<16xf32>
      %swap3A_108 = vector.shape_cast %broadcast_in_dim3A_2 : vector<16xf32> to vector<1x16xf32>
      tpu.vector_store %arg11[%swap3A, %swap3A_105], %swap3A_108 {strides = array<i32>} : memref<128x16xf32, #tpu.memory_space<vmem>>, vector<1x16xf32>,
      %swap3A_109 = arith.index_cast %scan3A_103 : i32 to index
      %swap3A_110 = arith.constant 0 : index
      %swap3A_111 = tpu.vector_load %arg9[%swap3A_109, %swap3A_110] {strides = array<i32>} : memref<128x64xf32, #tpu.memory_space<vmem>>, vector<1x16xf32>,
      %swap3A_112 = vector.shape_cast %swap3A_111 : vector<1x16xf32> to vector<16xf32>
      %swap3A_113 = vector.shape_cast %broadcast_in_dim3A_2 : vector<16xf32> to vector<1x16xf32>
      tpu.vector_store %arg9[%swap3A_109, %swap3A_110], %swap3A_113 {strides = array<i32>} : memref<128x64xf32, #tpu.memory_space<vmem>>, vector<1x16xf32>,
      %swap3A_114 = arith.index_cast %scan3A_103 : i32 to index
      %swap3A_115 = arith.constant 16 : index
      %swap3A_116 = tpu.vector_load %arg9[%swap3A_114, %swap3A_115] {strides = array<i32>} : memref<128x64xf32, #tpu.memory_space<vmem>>, vector<1x16xf32>,
      %swap3A_117 = vector.shape_cast %swap3A_116 : vector<1x16xf32> to vector<16xf32>
      %swap3A_118 = vector.shape_cast %broadcast_in_dim3A_2 : vector<16xf32> to vector<1x16xf32>
      tpu.vector_store %arg9[%swap3A_114, %swap3A_115], %swap3A_118 {strides = array<i32>} : memref<128x64xf32, #tpu.memory_space<vmem>>, vector<1x16xf32>,
      %swap3A_119 = arith.index_cast %scan3A_103 : i32 to index
      %swap3A_120 = arith.constant 32 : index
      %swap3A_121 = tpu.vector_load %arg9[%swap3A_119, %swap3A_120] {strides = array<i32>} : memref<128x64xf32, #tpu.memory_space<vmem>>, vector<1x16xf32>,
      %swap3A_122 = vector.shape_cast %swap3A_121 : vector<1x16xf32> to vector<16xf32>
      %swap3A_123 = vector.shape_cast %broadcast_in_dim3A_2 : vector<16xf32> to vector<1x16xf32>
      tpu.vector_store %arg9[%swap3A_119, %swap3A_120], %swap3A_123 {strides = array<i32>} : memref<128x64xf32, #tpu.memory_space<vmem>>, vector<1x16xf32>,
      %swap3A_124 = arith.index_cast %scan3A_103 : i32 to index
      %swap3A_125 = arith.constant 48 : index
      %swap3A_126 = tpu.vector_load %arg9[%swap3A_124, %swap3A_125] {strides = array<i32>} : memref<128x64xf32, #tpu.memory_space<vmem>>, vector<1x16xf32>,
      %swap3A_127 = vector.shape_cast %swap3A_126 : vector<1x16xf32> to vector<16xf32>
      %swap3A_128 = vector.shape_cast %broadcast_in_dim3A_2 : vector<16xf32> to vector<1x16xf32>
      tpu.vector_store %arg9[%swap3A_124, %swap3A_125], %swap3A_128 {strides = array<i32>} : memref<128x64xf32, #tpu.memory_space<vmem>>, vector<1x16xf32>,
      %scan3A_129 = arith.constant 0 : i32
      scf.yield %scan3A_129 : i32
    }
    %scan3A_17 = arith.constant 128 : i32
    %scan3A_18 = arith.constant 0 : i32
    %scan3A_19 = arith.constant 0 : i32
    %scan3A_20 = arith.constant 160 : i32
    %scan3A_21 = arith.addi %scan3A_19, %scan3A_20 : i32
    %scan3A_22 = arith.constant 1 : i32
    %scan3A_23 = scf.for %scan3A_103 = %scan3A_19 to %scan3A_21 step %scan3A_22 iter_args(%scan3A_104 = %scan3A_18) -> (i32)  : i32 {
      %get3A = arith.index_cast %scan3A_103 : i32 to index
      %get3A_105 = arith.constant 109 : index
      %get3A_106 = tpu.vector_load %arg6[%get3A, %get3A_105] {strides = array<i32>} : memref<160x125xi32, #tpu.memory_space<vmem>>, vector<1x16xi32>,
      %get3A_107 = vector.shape_cast %get3A_106 : vector<1x16xi32> to vector<16xi32>
      %get3A_108 = arith.index_cast %scan3A_103 : i32 to index
      %get3A_109 = arith.constant 0 : index
      %get3A_110 = tpu.vector_load %arg6[%get3A_108, %get3A_109] {strides = array<i32>} : memref<160x125xi32, #tpu.memory_space<vmem>>, vector<1x16xi32>,
      %get3A_111 = vector.shape_cast %get3A_110 : vector<1x16xi32> to vector<16xi32>
      %add3A_112 = arith.addi %get3A_111, %get3A_111 : vector<16xi32>
      %add3A_113 = vector.broadcast %arg0 : i32 to vector<16xi32>
      %add3A_114 = arith.addi %add3A_112, %add3A_113 : vector<16xi32>
      %swap3A = arith.index_cast %scan3A_103 : i32 to index
      %swap3A_115 = arith.constant 0 : index
      %swap3A_116 = tpu.vector_load %arg6[%swap3A, %swap3A_115] {strides = array<i32>} : memref<160x125xi32, #tpu.memory_space<vmem>>, vector<1x16xi32>,
      %swap3A_117 = vector.shape_cast %swap3A_116 : vector<1x16xi32> to vector<16xi32>
      %swap3A_118 = vector.shape_cast %add3A_114 : vector<16xi32> to vector<1x16xi32>
      tpu.vector_store %arg6[%swap3A, %swap3A_115], %swap3A_118 {strides = array<i32>} : memref<160x125xi32, #tpu.memory_space<vmem>>, vector<1x16xi32>,
      %get3A_119 = arith.index_cast %scan3A_103 : i32 to index
      %get3A_120 = arith.constant 16 : index
      %get3A_121 = tpu.vector_load %arg6[%get3A_119, %get3A_120] {strides = array<i32>} : memref<160x125xi32, #tpu.memory_space<vmem>>, vector<1x16xi32>,
      %get3A_122 = vector.shape_cast %get3A_121 : vector<1x16xi32> to vector<16xi32>
      %add3A_123 = arith.addi %get3A_122, %get3A_122 : vector<16xi32>
      %add3A_124 = vector.broadcast %arg0 : i32 to vector<16xi32>
      %add3A_125 = arith.addi %add3A_123, %add3A_124 : vector<16xi32>
      %swap3A_126 = arith.index_cast %scan3A_103 : i32 to index
      %swap3A_127 = arith.constant 16 : index
      %swap3A_128 = tpu.vector_load %arg6[%swap3A_126, %swap3A_127] {strides = array<i32>} : memref<160x125xi32, #tpu.memory_space<vmem>>, vector<1x16xi32>,
      %swap3A_129 = vector.shape_cast %swap3A_128 : vector<1x16xi32> to vector<16xi32>
      %swap3A_130 = vector.shape_cast %add3A_125 : vector<16xi32> to vector<1x16xi32>
      tpu.vector_store %arg6[%swap3A_126, %swap3A_127], %swap3A_130 {strides = array<i32>} : memref<160x125xi32, #tpu.memory_space<vmem>>, vector<1x16xi32>,
      %get3A_131 = arith.index_cast %scan3A_103 : i32 to index
      %get3A_132 = arith.constant 32 : index
      %get3A_133 = tpu.vector_load %arg6[%get3A_131, %get3A_132] {strides = array<i32>} : memref<160x125xi32, #tpu.memory_space<vmem>>, vector<1x16xi32>,
      %get3A_134 = vector.shape_cast %get3A_133 : vector<1x16xi32> to vector<16xi32>
      %add3A_135 = arith.addi %get3A_134, %get3A_134 : vector<16xi32>
      %add3A_136 = vector.broadcast %arg0 : i32 to vector<16xi32>
      %add3A_137 = arith.addi %add3A_135, %add3A_136 : vector<16xi32>
      %swap3A_138 = arith.index_cast %scan3A_103 : i32 to index
      %swap3A_139 = arith.constant 32 : index
      %swap3A_140 = tpu.vector_load %arg6[%swap3A_138, %swap3A_139] {strides = array<i32>} : memref<160x125xi32, #tpu.memory_space<vmem>>, vector<1x16xi32>,
      %swap3A_141 = vector.shape_cast %swap3A_140 : vector<1x16xi32> to vector<16xi32>
      %swap3A_142 = vector.shape_cast %add3A_137 : vector<16xi32> to vector<1x16xi32>
      tpu.vector_store %arg6[%swap3A_138, %swap3A_139], %swap3A_142 {strides = array<i32>} : memref<160x125xi32, #tpu.memory_space<vmem>>, vector<1x16xi32>,
      %get3A_143 = arith.index_cast %scan3A_103 : i32 to index
      %get3A_144 = arith.constant 48 : index
      %get3A_145 = tpu.vector_load %arg6[%get3A_143, %get3A_144] {strides = array<i32>} : memref<160x125xi32, #tpu.memory_space<vmem>>, vector<1x16xi32>,
      %get3A_146 = vector.shape_cast %get3A_145 : vector<1x16xi32> to vector<16xi32>
      %add3A_147 = arith.addi %get3A_146, %get3A_146 : vector<16xi32>
      %add3A_148 = vector.broadcast %arg0 : i32 to vector<16xi32>
      %add3A_149 = arith.addi %add3A_147, %add3A_148 : vector<16xi32>
      %swap3A_150 = arith.index_cast %scan3A_103 : i32 to index
      %swap3A_151 = arith.constant 48 : index
      %swap3A_152 = tpu.vector_load %arg6[%swap3A_150, %swap3A_151] {strides = array<i32>} : memref<160x125xi32, #tpu.memory_space<vmem>>, vector<1x16xi32>,
      %swap3A_153 = vector.shape_cast %swap3A_152 : vector<1x16xi32> to vector<16xi32>
      %swap3A_154 = vector.shape_cast %add3A_149 : vector<16xi32> to vector<1x16xi32>
      tpu.vector_store %arg6[%swap3A_150, %swap3A_151], %swap3A_154 {strides = array<i32>} : memref<160x125xi32, #tpu.memory_space<vmem>>, vector<1x16xi32>,
      %get3A_155 = arith.index_cast %scan3A_103 : i32 to index
      %get3A_156 = arith.constant 64 : index
      %get3A_157 = tpu.vector_load %arg6[%get3A_155, %get3A_156] {strides = array<i32>} : memref<160x125xi32, #tpu.memory_space<vmem>>, vector<1x16xi32>,
      %get3A_158 = vector.shape_cast %get3A_157 : vector<1x16xi32> to vector<16xi32>
      %add3A_159 = arith.addi %get3A_158, %get3A_158 : vector<16xi32>
      %add3A_160 = vector.broadcast %arg0 : i32 to vector<16xi32>
      %add3A_161 = arith.addi %add3A_159, %add3A_160 : vector<16xi32>
      %swap3A_162 = arith.index_cast %scan3A_103 : i32 to index
      %swap3A_163 = arith.constant 64 : index
      %swap3A_164 = tpu.vector_load %arg6[%swap3A_162, %swap3A_163] {strides = array<i32>} : memref<160x125xi32, #tpu.memory_space<vmem>>, vector<1x16xi32>,
      %swap3A_165 = vector.shape_cast %swap3A_164 : vector<1x16xi32> to vector<16xi32>
      %swap3A_166 = vector.shape_cast %add3A_161 : vector<16xi32> to vector<1x16xi32>
      tpu.vector_store %arg6[%swap3A_162, %swap3A_163], %swap3A_166 {strides = array<i32>} : memref<160x125xi32, #tpu.memory_space<vmem>>, vector<1x16xi32>,
      %get3A_167 = arith.index_cast %scan3A_103 : i32 to index
      %get3A_168 = arith.constant 80 : index
      %get3A_169 = tpu.vector_load %arg6[%get3A_167, %get3A_168] {strides = array<i32>} : memref<160x125xi32, #tpu.memory_space<vmem>>, vector<1x16xi32>,
      %get3A_170 = vector.shape_cast %get3A_169 : vector<1x16xi32> to vector<16xi32>
      %add3A_171 = arith.addi %get3A_170, %get3A_170 : vector<16xi32>
      %add3A_172 = vector.broadcast %arg0 : i32 to vector<16xi32>
      %add3A_173 = arith.addi %add3A_171, %add3A_172 : vector<16xi32>
      %swap3A_174 = arith.index_cast %scan3A_103 : i32 to index
      %swap3A_175 = arith.constant 80 : index
      %swap3A_176 = tpu.vector_load %arg6[%swap3A_174, %swap3A_175] {strides = array<i32>} : memref<160x125xi32, #tpu.memory_space<vmem>>, vector<1x16xi32>,
      %swap3A_177 = vector.shape_cast %swap3A_176 : vector<1x16xi32> to vector<16xi32>
      %swap3A_178 = vector.shape_cast %add3A_173 : vector<16xi32> to vector<1x16xi32>
      tpu.vector_store %arg6[%swap3A_174, %swap3A_175], %swap3A_178 {strides = array<i32>} : memref<160x125xi32, #tpu.memory_space<vmem>>, vector<1x16xi32>,
      %get3A_179 = arith.index_cast %scan3A_103 : i32 to index
      %get3A_180 = arith.constant 96 : index
      %get3A_181 = tpu.vector_load %arg6[%get3A_179, %get3A_180] {strides = array<i32>} : memref<160x125xi32, #tpu.memory_space<vmem>>, vector<1x16xi32>,
      %get3A_182 = vector.shape_cast %get3A_181 : vector<1x16xi32> to vector<16xi32>
      %add3A_183 = arith.addi %get3A_182, %get3A_182 : vector<16xi32>
      %add3A_184 = vector.broadcast %arg0 : i32 to vector<16xi32>
      %add3A_185 = arith.addi %add3A_183, %add3A_184 : vector<16xi32>
      %swap3A_186 = arith.index_cast %scan3A_103 : i32 to index
      %swap3A_187 = arith.constant 96 : index
      %swap3A_188 = tpu.vector_load %arg6[%swap3A_186, %swap3A_187] {strides = array<i32>} : memref<160x125xi32, #tpu.memory_space<vmem>>, vector<1x16xi32>,
      %swap3A_189 = vector.shape_cast %swap3A_188 : vector<1x16xi32> to vector<16xi32>
      %swap3A_190 = vector.shape_cast %add3A_185 : vector<16xi32> to vector<1x16xi32>
      tpu.vector_store %arg6[%swap3A_186, %swap3A_187], %swap3A_190 {strides = array<i32>} : memref<160x125xi32, #tpu.memory_space<vmem>>, vector<1x16xi32>,
      %add3A_191 = arith.addi %get3A_107, %get3A_107 : vector<16xi32>
      %add3A_192 = vector.broadcast %arg0 : i32 to vector<16xi32>
      %add3A_193 = arith.addi %add3A_191, %add3A_192 : vector<16xi32>
      %swap3A_194 = arith.index_cast %scan3A_103 : i32 to index
      %swap3A_195 = arith.constant 109 : index
      %swap3A_196 = tpu.vector_load %arg6[%swap3A_194, %swap3A_195] {strides = array<i32>} : memref<160x125xi32, #tpu.memory_space<vmem>>, vector<1x16xi32>,
      %swap3A_197 = vector.shape_cast %swap3A_196 : vector<1x16xi32> to vector<16xi32>
      %swap3A_198 = vector.shape_cast %add3A_193 : vector<16xi32> to vector<1x16xi32>
      tpu.vector_store %arg6[%swap3A_194, %swap3A_195], %swap3A_198 {strides = array<i32>} : memref<160x125xi32, #tpu.memory_space<vmem>>, vector<1x16xi32>,
      %scan3A_199 = arith.constant 0 : i32
      scf.yield %scan3A_199 : i32
    }
    %scan3A_24 = arith.constant 160 : i32
    %mul3A_25 = arith.constant 640 : i32
    %mul3A_26 = arith.muli %arg1, %mul3A_25 : i32
    %add3A_27 = arith.constant 0 : i32
    %add3A_28 = arith.addi %mul3A_26, %add3A_27 : i32
    "tpu.region"() ({
      %run_scoped3A = tpu.sem_alloc : memref<!tpu.dma_semaphore, #tpu.memory_space<semaphore_mem>>
      %dma_start3A_103 = arith.constant 0 : i32
      %dma_start3A_104 = tpu.memref_slice %arg12[%add3A_28, %dma_start3A_103] : memref<10240x64xf32, #tpu.memory_space<vmem_shared>> -> memref<128x64xf32, #tpu.memory_space<vmem_shared>>
      %dma_start3A_105 = arith.constant 0 : i32
      %dma_start3A_106 = tpu.memref_slice %arg12[%add3A_28, %dma_start3A_105] : memref<10240x64xf32, #tpu.memory_space<vmem_shared>> -> memref<128x64xf32, #tpu.memory_space<vmem_shared>>
      tpu.enqueue_dma source(%arg9 : memref<128x64xf32, #tpu.memory_space<vmem>>) target(%dma_start3A_106 : memref<128x64xf32, #tpu.memory_space<vmem_shared>>) target_semaphore(%run_scoped3A : memref<!tpu.dma_semaphore, #tpu.memory_space<semaphore_mem>>)
      %dma_wait3A_107 = arith.constant 0 : i32
      %dma_wait3A_108 = tpu.memref_slice %arg12[%add3A_28, %dma_wait3A_107] : memref<10240x64xf32, #tpu.memory_space<vmem_shared>> -> memref<128x64xf32, #tpu.memory_space<vmem_shared>>
      %dma_wait3A_109 = arith.constant 0 : i32
      %dma_wait3A_110 = tpu.memref_slice %arg12[%add3A_28, %dma_wait3A_109] : memref<10240x64xf32, #tpu.memory_space<vmem_shared>> -> memref<128x64xf32, #tpu.memory_space<vmem_shared>>
      tpu.wait_dma2 semaphore(%run_scoped3A : memref<!tpu.dma_semaphore, #tpu.memory_space<semaphore_mem>>) src(%arg9 : memref<128x64xf32, #tpu.memory_space<vmem>>) dst(%dma_wait3A_110 : memref<128x64xf32, #tpu.memory_space<vmem_shared>>)
      tpu.yield
    }) : () -> ()
    %mul3A_29 = arith.constant 640 : i32
    %mul3A_30 = arith.muli %arg1, %mul3A_29 : i32
    %add3A_31 = arith.constant 128 : i32
    %add3A_32 = arith.addi %mul3A_30, %add3A_31 : i32
    "tpu.region"() ({
      %run_scoped3A = tpu.sem_alloc : memref<!tpu.dma_semaphore, #tpu.memory_space<semaphore_mem>>
      %dma_start3A_103 = arith.constant 0 : i32
      %dma_start3A_104 = tpu.memref_slice %arg12[%add3A_32, %dma_start3A_103] : memref<10240x64xf32, #tpu.memory_space<vmem_shared>> -> memref<128x64xf32, #tpu.memory_space<vmem_shared>>
      %dma_start3A_105 = arith.constant 0 : i32
      %dma_start3A_106 = tpu.memref_slice %arg12[%add3A_32, %dma_start3A_105] : memref<10240x64xf32, #tpu.memory_space<vmem_shared>> -> memref<128x64xf32, #tpu.memory_space<vmem_shared>>
      tpu.enqueue_dma source(%arg9 : memref<128x64xf32, #tpu.memory_space<vmem>>) target(%dma_start3A_106 : memref<128x64xf32, #tpu.memory_space<vmem_shared>>) target_semaphore(%run_scoped3A : memref<!tpu.dma_semaphore, #tpu.memory_space<semaphore_mem>>)
      %dma_wait3A_107 = arith.constant 0 : i32
      %dma_wait3A_108 = tpu.memref_slice %arg12[%add3A_32, %dma_wait3A_107] : memref<10240x64xf32, #tpu.memory_space<vmem_shared>> -> memref<128x64xf32, #tpu.memory_space<vmem_shared>>
      %dma_wait3A_109 = arith.constant 0 : i32
      %dma_wait3A_110 = tpu.memref_slice %arg12[%add3A_32, %dma_wait3A_109] : memref<10240x64xf32, #tpu.memory_space<vmem_shared>> -> memref<128x64xf32, #tpu.memory_space<vmem_shared>>
      tpu.wait_dma2 semaphore(%run_scoped3A : memref<!tpu.dma_semaphore, #tpu.memory_space<semaphore_mem>>) src(%arg9 : memref<128x64xf32, #tpu.memory_space<vmem>>) dst(%dma_wait3A_110 : memref<128x64xf32, #tpu.memory_space<vmem_shared>>)
      tpu.yield
    }) : () -> ()
    %mul3A_33 = arith.constant 640 : i32
    %mul3A_34 = arith.muli %arg1, %mul3A_33 : i32
    %add3A_35 = arith.constant 256 : i32
    %add3A_36 = arith.addi %mul3A_34, %add3A_35 : i32
    "tpu.region"() ({
      %run_scoped3A = tpu.sem_alloc : memref<!tpu.dma_semaphore, #tpu.memory_space<semaphore_mem>>
      %dma_start3A_103 = arith.constant 0 : i32
      %dma_start3A_104 = tpu.memref_slice %arg12[%add3A_36, %dma_start3A_103] : memref<10240x64xf32, #tpu.memory_space<vmem_shared>> -> memref<128x64xf32, #tpu.memory_space<vmem_shared>>
      %dma_start3A_105 = arith.constant 0 : i32
      %dma_start3A_106 = tpu.memref_slice %arg12[%add3A_36, %dma_start3A_105] : memref<10240x64xf32, #tpu.memory_space<vmem_shared>> -> memref<128x64xf32, #tpu.memory_space<vmem_shared>>
      tpu.enqueue_dma source(%arg9 : memref<128x64xf32, #tpu.memory_space<vmem>>) target(%dma_start3A_106 : memref<128x64xf32, #tpu.memory_space<vmem_shared>>) target_semaphore(%run_scoped3A : memref<!tpu.dma_semaphore, #tpu.memory_space<semaphore_mem>>)
      %dma_wait3A_107 = arith.constant 0 : i32
      %dma_wait3A_108 = tpu.memref_slice %arg12[%add3A_36, %dma_wait3A_107] : memref<10240x64xf32, #tpu.memory_space<vmem_shared>> -> memref<128x64xf32, #tpu.memory_space<vmem_shared>>
      %dma_wait3A_109 = arith.constant 0 : i32
      %dma_wait3A_110 = tpu.memref_slice %arg12[%add3A_36, %dma_wait3A_109] : memref<10240x64xf32, #tpu.memory_space<vmem_shared>> -> memref<128x64xf32, #tpu.memory_space<vmem_shared>>
      tpu.wait_dma2 semaphore(%run_scoped3A : memref<!tpu.dma_semaphore, #tpu.memory_space<semaphore_mem>>) src(%arg9 : memref<128x64xf32, #tpu.memory_space<vmem>>) dst(%dma_wait3A_110 : memref<128x64xf32, #tpu.memory_space<vmem_shared>>)
      tpu.yield
    }) : () -> ()
    %mul3A_37 = arith.constant 640 : i32
    %mul3A_38 = arith.muli %arg1, %mul3A_37 : i32
    %add3A_39 = arith.constant 384 : i32
    %add3A_40 = arith.addi %mul3A_38, %add3A_39 : i32
    "tpu.region"() ({
      %run_scoped3A = tpu.sem_alloc : memref<!tpu.dma_semaphore, #tpu.memory_space<semaphore_mem>>
      %dma_start3A_103 = arith.constant 0 : i32
      %dma_start3A_104 = tpu.memref_slice %arg12[%add3A_40, %dma_start3A_103] : memref<10240x64xf32, #tpu.memory_space<vmem_shared>> -> memref<128x64xf32, #tpu.memory_space<vmem_shared>>
      %dma_start3A_105 = arith.constant 0 : i32
      %dma_start3A_106 = tpu.memref_slice %arg12[%add3A_40, %dma_start3A_105] : memref<10240x64xf32, #tpu.memory_space<vmem_shared>> -> memref<128x64xf32, #tpu.memory_space<vmem_shared>>
      tpu.enqueue_dma source(%arg9 : memref<128x64xf32, #tpu.memory_space<vmem>>) target(%dma_start3A_106 : memref<128x64xf32, #tpu.memory_space<vmem_shared>>) target_semaphore(%run_scoped3A : memref<!tpu.dma_semaphore, #tpu.memory_space<semaphore_mem>>)
      %dma_wait3A_107 = arith.constant 0 : i32
      %dma_wait3A_108 = tpu.memref_slice %arg12[%add3A_40, %dma_wait3A_107] : memref<10240x64xf32, #tpu.memory_space<vmem_shared>> -> memref<128x64xf32, #tpu.memory_space<vmem_shared>>
      %dma_wait3A_109 = arith.constant 0 : i32
      %dma_wait3A_110 = tpu.memref_slice %arg12[%add3A_40, %dma_wait3A_109] : memref<10240x64xf32, #tpu.memory_space<vmem_shared>> -> memref<128x64xf32, #tpu.memory_space<vmem_shared>>
      tpu.wait_dma2 semaphore(%run_scoped3A : memref<!tpu.dma_semaphore, #tpu.memory_space<semaphore_mem>>) src(%arg9 : memref<128x64xf32, #tpu.memory_space<vmem>>) dst(%dma_wait3A_110 : memref<128x64xf32, #tpu.memory_space<vmem_shared>>)
      tpu.yield
    }) : () -> ()
    %mul3A_41 = arith.constant 640 : i32
    %mul3A_42 = arith.muli %arg1, %mul3A_41 : i32
    %add3A_43 = arith.constant 512 : i32
    %add3A_44 = arith.addi %mul3A_42, %add3A_43 : i32
    "tpu.region"() ({
      %run_scoped3A = tpu.sem_alloc : memref<!tpu.dma_semaphore, #tpu.memory_space<semaphore_mem>>
      %dma_start3A_103 = arith.constant 0 : i32
      %dma_start3A_104 = tpu.memref_slice %arg12[%add3A_44, %dma_start3A_103] : memref<10240x64xf32, #tpu.memory_space<vmem_shared>> -> memref<128x64xf32, #tpu.memory_space<vmem_shared>>
      %dma_start3A_105 = arith.constant 0 : i32
      %dma_start3A_106 = tpu.memref_slice %arg12[%add3A_44, %dma_start3A_105] : memref<10240x64xf32, #tpu.memory_space<vmem_shared>> -> memref<128x64xf32, #tpu.memory_space<vmem_shared>>
      tpu.enqueue_dma source(%arg9 : memref<128x64xf32, #tpu.memory_space<vmem>>) target(%dma_start3A_106 : memref<128x64xf32, #tpu.memory_space<vmem_shared>>) target_semaphore(%run_scoped3A : memref<!tpu.dma_semaphore, #tpu.memory_space<semaphore_mem>>)
      %dma_wait3A_107 = arith.constant 0 : i32
      %dma_wait3A_108 = tpu.memref_slice %arg12[%add3A_44, %dma_wait3A_107] : memref<10240x64xf32, #tpu.memory_space<vmem_shared>> -> memref<128x64xf32, #tpu.memory_space<vmem_shared>>
      %dma_wait3A_109 = arith.constant 0 : i32
      %dma_wait3A_110 = tpu.memref_slice %arg12[%add3A_44, %dma_wait3A_109] : memref<10240x64xf32, #tpu.memory_space<vmem_shared>> -> memref<128x64xf32, #tpu.memory_space<vmem_shared>>
      tpu.wait_dma2 semaphore(%run_scoped3A : memref<!tpu.dma_semaphore, #tpu.memory_space<semaphore_mem>>) src(%arg9 : memref<128x64xf32, #tpu.memory_space<vmem>>) dst(%dma_wait3A_110 : memref<128x64xf32, #tpu.memory_space<vmem_shared>>)
      tpu.yield
    }) : () -> ()
    %barrier3A = arith.constant 0 : index
    tpu.barrier barrier_id(%barrier3A)
    %dma_start3A = arith.constant 0 : i32
    %dma_start3A_45 = arith.constant 0 : i32
    %dma_start3A_46 = arith.constant 0 : i32
    %dma_start3A_47 = arith.constant 0 : i32
    %dma_start3A_48 = tpu.memref_slice %arg8[%dma_start3A_45, %dma_start3A_46, %dma_start3A_47] : memref<2x125x64xf32, #tpu.memory_space<vmem>> -> memref<1x125x64xf32, #tpu.memory_space<vmem>>
    %dma_start3A_49 = tpu.memref_squeeze %dma_start3A_48 : memref<1x125x64xf32, #tpu.memory_space<vmem>> -> memref<125x64xf32, #tpu.memory_space<vmem>>
    %dma_start3A_50 = arith.constant 0 : i32
    %dma_start3A_51 = tpu.memref_slice %arg6[%dma_start3A, %dma_start3A_50] : memref<160x125xi32, #tpu.memory_space<vmem>> -> memref<1x125xi32, #tpu.memory_space<vmem>>
    %dma_start3A_52 = tpu.memref_squeeze %dma_start3A_51 : memref<1x125xi32, #tpu.memory_space<vmem>> -> memref<125xi32, #tpu.memory_space<vmem>>
    %dma_start3A_53 = arith.constant 0 : i32
    %dma_start3A_54 = arith.constant 0 : i32
    %dma_start3A_55 = tpu.memref_slice %arg2[%dma_start3A_53, %dma_start3A_54] : memref<20000x64xf32, #tpu.memory_space<hbm>> -> memref<20000x64xf32, #tpu.memory_space<hbm>>
    tpu.enqueue_indirect_dma source(%dma_start3A_55 : memref<20000x64xf32, #tpu.memory_space<hbm>>) target(%dma_start3A_49 : memref<125x64xf32, #tpu.memory_space<vmem>>) offsets(%dma_start3A_52 : memref<125xi32, #tpu.memory_space<vmem>>) semaphore(%arg14 : memref<!tpu.dma_semaphore, #tpu.memory_space<semaphore_mem>>)
    %dma_start3A_56 = arith.constant 1 : i32
    %dma_start3A_57 = arith.constant 1 : i32
    %dma_start3A_58 = arith.constant 0 : i32
    %dma_start3A_59 = arith.constant 0 : i32
    %dma_start3A_60 = tpu.memref_slice %arg8[%dma_start3A_57, %dma_start3A_58, %dma_start3A_59] : memref<2x125x64xf32, #tpu.memory_space<vmem>> -> memref<1x125x64xf32, #tpu.memory_space<vmem>>
    %dma_start3A_61 = tpu.memref_squeeze %dma_start3A_60 : memref<1x125x64xf32, #tpu.memory_space<vmem>> -> memref<125x64xf32, #tpu.memory_space<vmem>>
    %dma_start3A_62 = arith.constant 0 : i32
    %dma_start3A_63 = tpu.memref_slice %arg6[%dma_start3A_56, %dma_start3A_62] : memref<160x125xi32, #tpu.memory_space<vmem>> -> memref<1x125xi32, #tpu.memory_space<vmem>>
    %dma_start3A_64 = tpu.memref_squeeze %dma_start3A_63 : memref<1x125xi32, #tpu.memory_space<vmem>> -> memref<125xi32, #tpu.memory_space<vmem>>
    %dma_start3A_65 = arith.constant 0 : i32
    %dma_start3A_66 = arith.constant 0 : i32
    %dma_start3A_67 = tpu.memref_slice %arg2[%dma_start3A_65, %dma_start3A_66] : memref<20000x64xf32, #tpu.memory_space<hbm>> -> memref<20000x64xf32, #tpu.memory_space<hbm>>
    tpu.enqueue_indirect_dma source(%dma_start3A_67 : memref<20000x64xf32, #tpu.memory_space<hbm>>) target(%dma_start3A_61 : memref<125x64xf32, #tpu.memory_space<vmem>>) offsets(%dma_start3A_64 : memref<125xi32, #tpu.memory_space<vmem>>) semaphore(%arg15 : memref<!tpu.dma_semaphore, #tpu.memory_space<semaphore_mem>>)
    %scan3A_68 = arith.constant 0 : i32
    %scan3A_69 = arith.constant 0 : i32
    %scan3A_70 = arith.constant 80 : i32
    %scan3A_71 = arith.addi %scan3A_69, %scan3A_70 : i32
    %scan3A_72 = arith.constant 1 : i32
    %scan3A_73 = scf.for %scan3A_103 = %scan3A_69 to %scan3A_71 step %scan3A_72 iter_args(%scan3A_104 = %scan3A_68) -> (i32)  : i32 {
      %mul3A_105 = arith.constant 2 : i32
      %mul3A_106 = arith.muli %mul3A_105, %scan3A_103 : i32
      %add3A_107 = arith.constant 0 : i32
      %add3A_108 = arith.addi %mul3A_106, %add3A_107 : i32
      %dma_wait3A_109 = arith.constant 0 : i32
      %dma_wait3A_110 = arith.constant 0 : i32
      %dma_wait3A_111 = arith.constant 0 : i32
      %dma_wait3A_112 = tpu.memref_slice %arg8[%dma_wait3A_109, %dma_wait3A_110, %dma_wait3A_111] : memref<2x125x64xf32, #tpu.memory_space<vmem>> -> memref<1x125x64xf32, #tpu.memory_space<vmem>>
      %dma_wait3A_113 = tpu.memref_squeeze %dma_wait3A_112 : memref<1x125x64xf32, #tpu.memory_space<vmem>> -> memref<125x64xf32, #tpu.memory_space<vmem>>
      %dma_wait3A_114 = arith.constant 0 : i32
      %dma_wait3A_115 = tpu.memref_slice %arg6[%add3A_108, %dma_wait3A_114] : memref<160x125xi32, #tpu.memory_space<vmem>> -> memref<1x125xi32, #tpu.memory_space<vmem>>
      %dma_wait3A_116 = tpu.memref_squeeze %dma_wait3A_115 : memref<1x125xi32, #tpu.memory_space<vmem>> -> memref<125xi32, #tpu.memory_space<vmem>>
      %dma_wait3A_117 = arith.constant 0 : i32
      %dma_wait3A_118 = arith.constant 0 : i32
      %dma_wait3A_119 = tpu.memref_slice %arg2[%dma_wait3A_117, %dma_wait3A_118] : memref<20000x64xf32, #tpu.memory_space<hbm>> -> memref<20000x64xf32, #tpu.memory_space<hbm>>
      tpu.wait_indirect_dma semaphore(%arg14 : memref<!tpu.dma_semaphore, #tpu.memory_space<semaphore_mem>>) src(%dma_wait3A_119 : memref<20000x64xf32, #tpu.memory_space<hbm>>) dst(%dma_wait3A_113 : memref<125x64xf32, #tpu.memory_space<vmem>>)
      %dma_start3A_120 = arith.constant 0 : i32
      %dma_start3A_121 = arith.constant 0 : i32
      %dma_start3A_122 = arith.constant 0 : i32
      %dma_start3A_123 = tpu.memref_slice %arg8[%dma_start3A_120, %dma_start3A_121, %dma_start3A_122] : memref<2x125x64xf32, #tpu.memory_space<vmem>> -> memref<1x125x64xf32, #tpu.memory_space<vmem>>
      %dma_start3A_124 = tpu.memref_squeeze %dma_start3A_123 : memref<1x125x64xf32, #tpu.memory_space<vmem>> -> memref<125x64xf32, #tpu.memory_space<vmem>>
      %dma_start3A_125 = arith.constant 0 : i32
      %dma_start3A_126 = tpu.memref_slice %arg7[%add3A_108, %dma_start3A_125] : memref<160x125xi32, #tpu.memory_space<vmem>> -> memref<1x125xi32, #tpu.memory_space<vmem>>
      %dma_start3A_127 = tpu.memref_squeeze %dma_start3A_126 : memref<1x125xi32, #tpu.memory_space<vmem>> -> memref<125xi32, #tpu.memory_space<vmem>>
      %dma_start3A_128 = arith.constant 0 : i32
      %dma_start3A_129 = arith.constant 0 : i32
      %dma_start3A_130 = tpu.memref_slice %arg12[%dma_start3A_128, %dma_start3A_129] : memref<10240x64xf32, #tpu.memory_space<vmem_shared>> -> memref<10240x64xf32, #tpu.memory_space<vmem_shared>>
      tpu.enqueue_indirect_dma source(%dma_start3A_124 : memref<125x64xf32, #tpu.memory_space<vmem>>) target(%dma_start3A_130 : memref<10240x64xf32, #tpu.memory_space<vmem_shared>>) offsets(%dma_start3A_127 : memref<125xi32, #tpu.memory_space<vmem>>) semaphore(%arg16 : memref<!tpu.dma_semaphore, #tpu.memory_space<semaphore_mem>>) {add = true}
      %add3A_131 = arith.constant 2 : i32
      %add3A_132 = arith.addi %add3A_108, %add3A_131 : i32
      %lt3A = arith.constant 160 : i32
      %lt3A_133 = arith.cmpi slt, %add3A_132, %lt3A : i32
      %convert_element_type3A = arith.extui %lt3A_133 : i1 to i32
      %cond3A = arith.constant 0 : i32
      %cond3A_134 = arith.cmpi ne, %convert_element_type3A, %cond3A : i32
      scf.if %cond3A_134 {
        %dma_wait3A_167 = arith.constant 0 : i32
        %dma_wait3A_168 = arith.constant 0 : i32
        %dma_wait3A_169 = arith.constant 0 : i32
        %dma_wait3A_170 = tpu.memref_slice %arg8[%dma_wait3A_167, %dma_wait3A_168, %dma_wait3A_169] : memref<2x125x64xf32, #tpu.memory_space<vmem>> -> memref<1x125x64xf32, #tpu.memory_space<vmem>>
        %dma_wait3A_171 = tpu.memref_squeeze %dma_wait3A_170 : memref<1x125x64xf32, #tpu.memory_space<vmem>> -> memref<125x64xf32, #tpu.memory_space<vmem>>
        %dma_wait3A_172 = arith.constant 0 : i32
        %dma_wait3A_173 = tpu.memref_slice %arg7[%add3A_108, %dma_wait3A_172] : memref<160x125xi32, #tpu.memory_space<vmem>> -> memref<1x125xi32, #tpu.memory_space<vmem>>
        %dma_wait3A_174 = tpu.memref_squeeze %dma_wait3A_173 : memref<1x125xi32, #tpu.memory_space<vmem>> -> memref<125xi32, #tpu.memory_space<vmem>>
        %dma_wait3A_175 = arith.constant 0 : i32
        %dma_wait3A_176 = arith.constant 0 : i32
        %dma_wait3A_177 = tpu.memref_slice %arg12[%dma_wait3A_175, %dma_wait3A_176] : memref<10240x64xf32, #tpu.memory_space<vmem_shared>> -> memref<10240x64xf32, #tpu.memory_space<vmem_shared>>
        tpu.wait_indirect_dma semaphore(%arg16 : memref<!tpu.dma_semaphore, #tpu.memory_space<semaphore_mem>>) src(%dma_wait3A_171 : memref<125x64xf32, #tpu.memory_space<vmem>>) dst(%dma_wait3A_177 : memref<10240x64xf32, #tpu.memory_space<vmem_shared>>)
        %add3A_178 = arith.constant 2 : i32
        %add3A_179 = arith.addi %add3A_108, %add3A_178 : i32
        %min3A = arith.constant 159 : i32
        %min3A_180 = arith.minsi %add3A_179, %min3A : i32
        %dma_start3A_181 = arith.constant 0 : i32
        %dma_start3A_182 = arith.constant 0 : i32
        %dma_start3A_183 = arith.constant 0 : i32
        %dma_start3A_184 = tpu.memref_slice %arg8[%dma_start3A_181, %dma_start3A_182, %dma_start3A_183] : memref<2x125x64xf32, #tpu.memory_space<vmem>> -> memref<1x125x64xf32, #tpu.memory_space<vmem>>
        %dma_start3A_185 = tpu.memref_squeeze %dma_start3A_184 : memref<1x125x64xf32, #tpu.memory_space<vmem>> -> memref<125x64xf32, #tpu.memory_space<vmem>>
        %dma_start3A_186 = arith.constant 0 : i32
        %dma_start3A_187 = tpu.memref_slice %arg6[%min3A_180, %dma_start3A_186] : memref<160x125xi32, #tpu.memory_space<vmem>> -> memref<1x125xi32, #tpu.memory_space<vmem>>
        %dma_start3A_188 = tpu.memref_squeeze %dma_start3A_187 : memref<1x125xi32, #tpu.memory_space<vmem>> -> memref<125xi32, #tpu.memory_space<vmem>>
        %dma_start3A_189 = arith.constant 0 : i32
        %dma_start3A_190 = arith.constant 0 : i32
        %dma_start3A_191 = tpu.memref_slice %arg2[%dma_start3A_189, %dma_start3A_190] : memref<20000x64xf32, #tpu.memory_space<hbm>> -> memref<20000x64xf32, #tpu.memory_space<hbm>>
        tpu.enqueue_indirect_dma source(%dma_start3A_191 : memref<20000x64xf32, #tpu.memory_space<hbm>>) target(%dma_start3A_185 : memref<125x64xf32, #tpu.memory_space<vmem>>) offsets(%dma_start3A_188 : memref<125xi32, #tpu.memory_space<vmem>>) semaphore(%arg14 : memref<!tpu.dma_semaphore, #tpu.memory_space<semaphore_mem>>)
      } else {
      }
      %add3A_135 = arith.constant 1 : i32
      %add3A_136 = arith.addi %mul3A_106, %add3A_135 : i32
      %dma_wait3A_137 = arith.constant 1 : i32
      %dma_wait3A_138 = arith.constant 0 : i32
      %dma_wait3A_139 = arith.constant 0 : i32
      %dma_wait3A_140 = tpu.memref_slice %arg8[%dma_wait3A_137, %dma_wait3A_138, %dma_wait3A_139] : memref<2x125x64xf32, #tpu.memory_space<vmem>> -> memref<1x125x64xf32, #tpu.memory_space<vmem>>
      %dma_wait3A_141 = tpu.memref_squeeze %dma_wait3A_140 : memref<1x125x64xf32, #tpu.memory_space<vmem>> -> memref<125x64xf32, #tpu.memory_space<vmem>>
      %dma_wait3A_142 = arith.constant 0 : i32
      %dma_wait3A_143 = tpu.memref_slice %arg6[%add3A_136, %dma_wait3A_142] : memref<160x125xi32, #tpu.memory_space<vmem>> -> memref<1x125xi32, #tpu.memory_space<vmem>>
      %dma_wait3A_144 = tpu.memref_squeeze %dma_wait3A_143 : memref<1x125xi32, #tpu.memory_space<vmem>> -> memref<125xi32, #tpu.memory_space<vmem>>
      %dma_wait3A_145 = arith.constant 0 : i32
      %dma_wait3A_146 = arith.constant 0 : i32
      %dma_wait3A_147 = tpu.memref_slice %arg2[%dma_wait3A_145, %dma_wait3A_146] : memref<20000x64xf32, #tpu.memory_space<hbm>> -> memref<20000x64xf32, #tpu.memory_space<hbm>>
      tpu.wait_indirect_dma semaphore(%arg15 : memref<!tpu.dma_semaphore, #tpu.memory_space<semaphore_mem>>) src(%dma_wait3A_147 : memref<20000x64xf32, #tpu.memory_space<hbm>>) dst(%dma_wait3A_141 : memref<125x64xf32, #tpu.memory_space<vmem>>)
      %dma_start3A_148 = arith.constant 1 : i32
      %dma_start3A_149 = arith.constant 0 : i32
      %dma_start3A_150 = arith.constant 0 : i32
      %dma_start3A_151 = tpu.memref_slice %arg8[%dma_start3A_148, %dma_start3A_149, %dma_start3A_150] : memref<2x125x64xf32, #tpu.memory_space<vmem>> -> memref<1x125x64xf32, #tpu.memory_space<vmem>>
      %dma_start3A_152 = tpu.memref_squeeze %dma_start3A_151 : memref<1x125x64xf32, #tpu.memory_space<vmem>> -> memref<125x64xf32, #tpu.memory_space<vmem>>
      %dma_start3A_153 = arith.constant 0 : i32
      %dma_start3A_154 = tpu.memref_slice %arg7[%add3A_136, %dma_start3A_153] : memref<160x125xi32, #tpu.memory_space<vmem>> -> memref<1x125xi32, #tpu.memory_space<vmem>>
      %dma_start3A_155 = tpu.memref_squeeze %dma_start3A_154 : memref<1x125xi32, #tpu.memory_space<vmem>> -> memref<125xi32, #tpu.memory_space<vmem>>
      %dma_start3A_156 = arith.constant 0 : i32
      %dma_start3A_157 = arith.constant 0 : i32
      %dma_start3A_158 = tpu.memref_slice %arg12[%dma_start3A_156, %dma_start3A_157] : memref<10240x64xf32, #tpu.memory_space<vmem_shared>> -> memref<10240x64xf32, #tpu.memory_space<vmem_shared>>
      tpu.enqueue_indirect_dma source(%dma_start3A_152 : memref<125x64xf32, #tpu.memory_space<vmem>>) target(%dma_start3A_158 : memref<10240x64xf32, #tpu.memory_space<vmem_shared>>) offsets(%dma_start3A_155 : memref<125xi32, #tpu.memory_space<vmem>>) semaphore(%arg17 : memref<!tpu.dma_semaphore, #tpu.memory_space<semaphore_mem>>) {add = true}
      %add3A_159 = arith.constant 2 : i32
      %add3A_160 = arith.addi %add3A_136, %add3A_159 : i32
      %lt3A_161 = arith.constant 160 : i32
      %lt3A_162 = arith.cmpi slt, %add3A_160, %lt3A_161 : i32
      %convert_element_type3A_163 = arith.extui %lt3A_162 : i1 to i32
      %cond3A_164 = arith.constant 0 : i32
      %cond3A_165 = arith.cmpi ne, %convert_element_type3A_163, %cond3A_164 : i32
      scf.if %cond3A_165 {
        %dma_wait3A_167 = arith.constant 1 : i32
        %dma_wait3A_168 = arith.constant 0 : i32
        %dma_wait3A_169 = arith.constant 0 : i32
        %dma_wait3A_170 = tpu.memref_slice %arg8[%dma_wait3A_167, %dma_wait3A_168, %dma_wait3A_169] : memref<2x125x64xf32, #tpu.memory_space<vmem>> -> memref<1x125x64xf32, #tpu.memory_space<vmem>>
        %dma_wait3A_171 = tpu.memref_squeeze %dma_wait3A_170 : memref<1x125x64xf32, #tpu.memory_space<vmem>> -> memref<125x64xf32, #tpu.memory_space<vmem>>
        %dma_wait3A_172 = arith.constant 0 : i32
        %dma_wait3A_173 = tpu.memref_slice %arg7[%add3A_136, %dma_wait3A_172] : memref<160x125xi32, #tpu.memory_space<vmem>> -> memref<1x125xi32, #tpu.memory_space<vmem>>
        %dma_wait3A_174 = tpu.memref_squeeze %dma_wait3A_173 : memref<1x125xi32, #tpu.memory_space<vmem>> -> memref<125xi32, #tpu.memory_space<vmem>>
        %dma_wait3A_175 = arith.constant 0 : i32
        %dma_wait3A_176 = arith.constant 0 : i32
        %dma_wait3A_177 = tpu.memref_slice %arg12[%dma_wait3A_175, %dma_wait3A_176] : memref<10240x64xf32, #tpu.memory_space<vmem_shared>> -> memref<10240x64xf32, #tpu.memory_space<vmem_shared>>
        tpu.wait_indirect_dma semaphore(%arg17 : memref<!tpu.dma_semaphore, #tpu.memory_space<semaphore_mem>>) src(%dma_wait3A_171 : memref<125x64xf32, #tpu.memory_space<vmem>>) dst(%dma_wait3A_177 : memref<10240x64xf32, #tpu.memory_space<vmem_shared>>)
        %add3A_178 = arith.constant 2 : i32
        %add3A_179 = arith.addi %add3A_136, %add3A_178 : i32
        %min3A = arith.constant 159 : i32
        %min3A_180 = arith.minsi %add3A_179, %min3A : i32
        %dma_start3A_181 = arith.constant 1 : i32
        %dma_start3A_182 = arith.constant 0 : i32
        %dma_start3A_183 = arith.constant 0 : i32
        %dma_start3A_184 = tpu.memref_slice %arg8[%dma_start3A_181, %dma_start3A_182, %dma_start3A_183] : memref<2x125x64xf32, #tpu.memory_space<vmem>> -> memref<1x125x64xf32, #tpu.memory_space<vmem>>
        %dma_start3A_185 = tpu.memref_squeeze %dma_start3A_184 : memref<1x125x64xf32, #tpu.memory_space<vmem>> -> memref<125x64xf32, #tpu.memory_space<vmem>>
        %dma_start3A_186 = arith.constant 0 : i32
        %dma_start3A_187 = tpu.memref_slice %arg6[%min3A_180, %dma_start3A_186] : memref<160x125xi32, #tpu.memory_space<vmem>> -> memref<1x125xi32, #tpu.memory_space<vmem>>
        %dma_start3A_188 = tpu.memref_squeeze %dma_start3A_187 : memref<1x125xi32, #tpu.memory_space<vmem>> -> memref<125xi32, #tpu.memory_space<vmem>>
        %dma_start3A_189 = arith.constant 0 : i32
        %dma_start3A_190 = arith.constant 0 : i32
        %dma_start3A_191 = tpu.memref_slice %arg2[%dma_start3A_189, %dma_start3A_190] : memref<20000x64xf32, #tpu.memory_space<hbm>> -> memref<20000x64xf32, #tpu.memory_space<hbm>>
        tpu.enqueue_indirect_dma source(%dma_start3A_191 : memref<20000x64xf32, #tpu.memory_space<hbm>>) target(%dma_start3A_185 : memref<125x64xf32, #tpu.memory_space<vmem>>) offsets(%dma_start3A_188 : memref<125xi32, #tpu.memory_space<vmem>>) semaphore(%arg15 : memref<!tpu.dma_semaphore, #tpu.memory_space<semaphore_mem>>)
      } else {
      }
      %scan3A_166 = arith.constant 0 : i32
      scf.yield %scan3A_166 : i32
    }
    %scan3A_74 = arith.constant 80 : i32
    %dma_wait3A = arith.constant 0 : i32
    %dma_wait3A_75 = arith.constant 158 : i32
    %dma_wait3A_76 = arith.constant 0 : i32
    %dma_wait3A_77 = arith.constant 0 : i32
    %dma_wait3A_78 = tpu.memref_slice %arg8[%dma_wait3A, %dma_wait3A_76, %dma_wait3A_77] : memref<2x125x64xf32, #tpu.memory_space<vmem>> -> memref<1x125x64xf32, #tpu.memory_space<vmem>>
    %dma_wait3A_79 = tpu.memref_squeeze %dma_wait3A_78 : memref<1x125x64xf32, #tpu.memory_space<vmem>> -> memref<125x64xf32, #tpu.memory_space<vmem>>
    %dma_wait3A_80 = arith.constant 0 : i32
    %dma_wait3A_81 = tpu.memref_slice %arg7[%dma_wait3A_75, %dma_wait3A_80] : memref<160x125xi32, #tpu.memory_space<vmem>> -> memref<1x125xi32, #tpu.memory_space<vmem>>
    %dma_wait3A_82 = tpu.memref_squeeze %dma_wait3A_81 : memref<1x125xi32, #tpu.memory_space<vmem>> -> memref<125xi32, #tpu.memory_space<vmem>>
    %dma_wait3A_83 = arith.constant 0 : i32
    %dma_wait3A_84 = arith.constant 0 : i32
    %dma_wait3A_85 = tpu.memref_slice %arg12[%dma_wait3A_83, %dma_wait3A_84] : memref<10240x64xf32, #tpu.memory_space<vmem_shared>> -> memref<10240x64xf32, #tpu.memory_space<vmem_shared>>
    tpu.wait_indirect_dma semaphore(%arg16 : memref<!tpu.dma_semaphore, #tpu.memory_space<semaphore_mem>>) src(%dma_wait3A_79 : memref<125x64xf32, #tpu.memory_space<vmem>>) dst(%dma_wait3A_85 : memref<10240x64xf32, #tpu.memory_space<vmem_shared>>)
    %dma_wait3A_86 = arith.constant 1 : i32
    %dma_wait3A_87 = arith.constant 159 : i32
    %dma_wait3A_88 = arith.constant 0 : i32
    %dma_wait3A_89 = arith.constant 0 : i32
    %dma_wait3A_90 = tpu.memref_slice %arg8[%dma_wait3A_86, %dma_wait3A_88, %dma_wait3A_89] : memref<2x125x64xf32, #tpu.memory_space<vmem>> -> memref<1x125x64xf32, #tpu.memory_space<vmem>>
    %dma_wait3A_91 = tpu.memref_squeeze %dma_wait3A_90 : memref<1x125x64xf32, #tpu.memory_space<vmem>> -> memref<125x64xf32, #tpu.memory_space<vmem>>
    %dma_wait3A_92 = arith.constant 0 : i32
    %dma_wait3A_93 = tpu.memref_slice %arg7[%dma_wait3A_87, %dma_wait3A_92] : memref<160x125xi32, #tpu.memory_space<vmem>> -> memref<1x125xi32, #tpu.memory_space<vmem>>
    %dma_wait3A_94 = tpu.memref_squeeze %dma_wait3A_93 : memref<1x125xi32, #tpu.memory_space<vmem>> -> memref<125xi32, #tpu.memory_space<vmem>>
    %dma_wait3A_95 = arith.constant 0 : i32
    %dma_wait3A_96 = arith.constant 0 : i32
    %dma_wait3A_97 = tpu.memref_slice %arg12[%dma_wait3A_95, %dma_wait3A_96] : memref<10240x64xf32, #tpu.memory_space<vmem_shared>> -> memref<10240x64xf32, #tpu.memory_space<vmem_shared>>
    tpu.wait_indirect_dma semaphore(%arg17 : memref<!tpu.dma_semaphore, #tpu.memory_space<semaphore_mem>>) src(%dma_wait3A_91 : memref<125x64xf32, #tpu.memory_space<vmem>>) dst(%dma_wait3A_97 : memref<10240x64xf32, #tpu.memory_space<vmem_shared>>)
    %barrier3A_98 = arith.constant 0 : index
    tpu.barrier barrier_id(%barrier3A_98)
    %mul3A_99 = arith.constant 640 : i32
    %mul3A_100 = arith.muli %arg1, %mul3A_99 : i32
    %mul3A_101 = arith.constant 640 : i32
    %mul3A_102 = arith.muli %arg1, %mul3A_101 : i32
    "tpu.region"() ({
      %run_scoped3A = tpu.sem_alloc : memref<!tpu.dma_semaphore, #tpu.memory_space<semaphore_mem>>
      %dma_start3A_103 = arith.constant 0 : i32
      %dma_start3A_104 = tpu.memref_slice %arg5[%arg0, %mul3A_102, %dma_start3A_103] : memref<2x10240x64xf32, #tpu.memory_space<hbm>> -> memref<1x640x64xf32, #tpu.memory_space<hbm>>
      %dma_start3A_105 = tpu.memref_squeeze %dma_start3A_104 : memref<1x640x64xf32, #tpu.memory_space<hbm>> -> memref<640x64xf32, #tpu.memory_space<hbm>>
      %dma_start3A_106 = arith.constant 0 : i32
      %dma_start3A_107 = tpu.memref_slice %arg12[%mul3A_100, %dma_start3A_106] : memref<10240x64xf32, #tpu.memory_space<vmem_shared>> -> memref<640x64xf32, #tpu.memory_space<vmem_shared>>
      tpu.enqueue_dma source(%dma_start3A_107 : memref<640x64xf32, #tpu.memory_space<vmem_shared>>) target(%dma_start3A_105 : memref<640x64xf32, #tpu.memory_space<hbm>>) target_semaphore(%run_scoped3A : memref<!tpu.dma_semaphore, #tpu.memory_space<semaphore_mem>>)
      %dma_wait3A_108 = arith.constant 0 : i32
      %dma_wait3A_109 = tpu.memref_slice %arg5[%arg0, %mul3A_102, %dma_wait3A_108] : memref<2x10240x64xf32, #tpu.memory_space<hbm>> -> memref<1x640x64xf32, #tpu.memory_space<hbm>>
      %dma_wait3A_110 = tpu.memref_squeeze %dma_wait3A_109 : memref<1x640x64xf32, #tpu.memory_space<hbm>> -> memref<640x64xf32, #tpu.memory_space<hbm>>
      %dma_wait3A_111 = arith.constant 0 : i32
      %dma_wait3A_112 = tpu.memref_slice %arg12[%mul3A_100, %dma_wait3A_111] : memref<10240x64xf32, #tpu.memory_space<vmem_shared>> -> memref<640x64xf32, #tpu.memory_space<vmem_shared>>
      tpu.wait_dma2 semaphore(%run_scoped3A : memref<!tpu.dma_semaphore, #tpu.memory_space<semaphore_mem>>) src(%dma_wait3A_112 : memref<640x64xf32, #tpu.memory_space<vmem_shared>>) dst(%dma_wait3A_110 : memref<640x64xf32, #tpu.memory_space<hbm>>)
      tpu.yield
    }) : () -> ()
    return
  }
}

#map = affine_map<(d0, d1) -> (0, 0)>
#map1 = affine_map<(d0, d1) -> (0, 0, 0)>
module attributes {stable_mosaic.version = 14 : i64} {
  func.func @body(%arg0: i32, %arg1: i32, %arg2: memref<20000x64xf32, #tpu.memory_space<hbm>>, %arg3: memref<16x160x125xi32, #tpu.memory_space<hbm>>, %arg4: memref<16x160x125xi32, #tpu.memory_space<hbm>>, %arg5: memref<2x10240x64xf32, #tpu.memory_space<hbm>>, %arg6: memref<2x10240x16xf32, #tpu.memory_space<hbm>>, %arg7: memref<160x125xi32, #tpu.memory_space<vmem>>, %arg8: memref<160x125xi32, #tpu.memory_space<vmem>>, %arg9: memref<2x125x64xf32, #tpu.memory_space<vmem>>, %arg10: memref<128x64xf32, #tpu.memory_space<vmem>>, %arg11: memref<125x16xf32, #tpu.memory_space<vmem>>, %arg12: memref<128x16xf32, #tpu.memory_space<vmem>>, %arg13: memref<10240x64xf32, #tpu.memory_space<vmem_shared>>, %arg14: memref<10240x16xf32, #tpu.memory_space<vmem_shared>>, %arg15: memref<!tpu.dma_semaphore, #tpu.memory_space<semaphore_mem>>, %arg16: memref<!tpu.dma_semaphore, #tpu.memory_space<semaphore_mem>>, %arg17: memref<!tpu.dma_semaphore, #tpu.memory_space<semaphore_mem>>, %arg18: memref<!tpu.dma_semaphore, #tpu.memory_space<semaphore_mem>>) attributes {dimension_semantics = [#tpu.dimension_semantics<core_parallel>, #tpu.dimension_semantics<subcore_parallel>], iteration_bounds = array<i64: 2, 16>, scalar_prefetch = 0 : i64, scratch_operands = 12 : i64, tpu.core_type = #tpu.core_type<sc_vector_subcore>, window_params = [{transform_indices = #map}, {transform_indices = #map1}, {transform_indices = #map1}, {transform_indices = #map1}, {transform_indices = #map1}]} {
    %mul3A = arith.constant 80 : i32
    %mul3A_0 = arith.muli %arg0, %mul3A : i32
    %add3A = arith.constant 80 : i32
    %add3A_1 = arith.addi %mul3A_0, %add3A : i32
    "tpu.region"() ({
      %run_scoped3A = tpu.sem_alloc : memref<!tpu.dma_semaphore, #tpu.memory_space<semaphore_mem>>
      %dma_start3A_127 = arith.constant 0 : i32
      %dma_start3A_128 = arith.constant 0 : i32
      %dma_start3A_129 = tpu.memref_slice %arg3[%arg1, %dma_start3A_127, %dma_start3A_128] : memref<16x160x125xi32, #tpu.memory_space<hbm>> -> memref<1x160x125xi32, #tpu.memory_space<hbm>>
      %dma_start3A_130 = tpu.memref_squeeze %dma_start3A_129 : memref<1x160x125xi32, #tpu.memory_space<hbm>> -> memref<160x125xi32, #tpu.memory_space<hbm>>
      %dma_start3A_131 = arith.constant 0 : i32
      %dma_start3A_132 = arith.constant 0 : i32
      %dma_start3A_133 = tpu.memref_slice %arg3[%arg1, %dma_start3A_131, %dma_start3A_132] : memref<16x160x125xi32, #tpu.memory_space<hbm>> -> memref<1x160x125xi32, #tpu.memory_space<hbm>>
      %dma_start3A_134 = tpu.memref_squeeze %dma_start3A_133 : memref<1x160x125xi32, #tpu.memory_space<hbm>> -> memref<160x125xi32, #tpu.memory_space<hbm>>
      tpu.enqueue_dma source(%dma_start3A_134 : memref<160x125xi32, #tpu.memory_space<hbm>>) target(%arg7 : memref<160x125xi32, #tpu.memory_space<vmem>>) target_semaphore(%run_scoped3A : memref<!tpu.dma_semaphore, #tpu.memory_space<semaphore_mem>>)
      %dma_wait3A_135 = arith.constant 0 : i32
      %dma_wait3A_136 = arith.constant 0 : i32
      %dma_wait3A_137 = tpu.memref_slice %arg3[%arg1, %dma_wait3A_135, %dma_wait3A_136] : memref<16x160x125xi32, #tpu.memory_space<hbm>> -> memref<1x160x125xi32, #tpu.memory_space<hbm>>
      %dma_wait3A_138 = tpu.memref_squeeze %dma_wait3A_137 : memref<1x160x125xi32, #tpu.memory_space<hbm>> -> memref<160x125xi32, #tpu.memory_space<hbm>>
      %dma_wait3A_139 = arith.constant 0 : i32
      %dma_wait3A_140 = arith.constant 0 : i32
      %dma_wait3A_141 = tpu.memref_slice %arg3[%arg1, %dma_wait3A_139, %dma_wait3A_140] : memref<16x160x125xi32, #tpu.memory_space<hbm>> -> memref<1x160x125xi32, #tpu.memory_space<hbm>>
      %dma_wait3A_142 = tpu.memref_squeeze %dma_wait3A_141 : memref<1x160x125xi32, #tpu.memory_space<hbm>> -> memref<160x125xi32, #tpu.memory_space<hbm>>
      tpu.wait_dma2 semaphore(%run_scoped3A : memref<!tpu.dma_semaphore, #tpu.memory_space<semaphore_mem>>) src(%dma_wait3A_142 : memref<160x125xi32, #tpu.memory_space<hbm>>) dst(%arg7 : memref<160x125xi32, #tpu.memory_space<vmem>>)
      tpu.yield
    }) : () -> ()
    "tpu.region"() ({
      %run_scoped3A = tpu.sem_alloc : memref<!tpu.dma_semaphore, #tpu.memory_space<semaphore_mem>>
      %dma_start3A_127 = arith.constant 0 : i32
      %dma_start3A_128 = arith.constant 0 : i32
      %dma_start3A_129 = tpu.memref_slice %arg4[%arg1, %dma_start3A_127, %dma_start3A_128] : memref<16x160x125xi32, #tpu.memory_space<hbm>> -> memref<1x160x125xi32, #tpu.memory_space<hbm>>
      %dma_start3A_130 = tpu.memref_squeeze %dma_start3A_129 : memref<1x160x125xi32, #tpu.memory_space<hbm>> -> memref<160x125xi32, #tpu.memory_space<hbm>>
      %dma_start3A_131 = arith.constant 0 : i32
      %dma_start3A_132 = arith.constant 0 : i32
      %dma_start3A_133 = tpu.memref_slice %arg4[%arg1, %dma_start3A_131, %dma_start3A_132] : memref<16x160x125xi32, #tpu.memory_space<hbm>> -> memref<1x160x125xi32, #tpu.memory_space<hbm>>
      %dma_start3A_134 = tpu.memref_squeeze %dma_start3A_133 : memref<1x160x125xi32, #tpu.memory_space<hbm>> -> memref<160x125xi32, #tpu.memory_space<hbm>>
      tpu.enqueue_dma source(%dma_start3A_134 : memref<160x125xi32, #tpu.memory_space<hbm>>) target(%arg8 : memref<160x125xi32, #tpu.memory_space<vmem>>) target_semaphore(%run_scoped3A : memref<!tpu.dma_semaphore, #tpu.memory_space<semaphore_mem>>)
      %dma_wait3A_135 = arith.constant 0 : i32
      %dma_wait3A_136 = arith.constant 0 : i32
      %dma_wait3A_137 = tpu.memref_slice %arg4[%arg1, %dma_wait3A_135, %dma_wait3A_136] : memref<16x160x125xi32, #tpu.memory_space<hbm>> -> memref<1x160x125xi32, #tpu.memory_space<hbm>>
      %dma_wait3A_138 = tpu.memref_squeeze %dma_wait3A_137 : memref<1x160x125xi32, #tpu.memory_space<hbm>> -> memref<160x125xi32, #tpu.memory_space<hbm>>
      %dma_wait3A_139 = arith.constant 0 : i32
      %dma_wait3A_140 = arith.constant 0 : i32
      %dma_wait3A_141 = tpu.memref_slice %arg4[%arg1, %dma_wait3A_139, %dma_wait3A_140] : memref<16x160x125xi32, #tpu.memory_space<hbm>> -> memref<1x160x125xi32, #tpu.memory_space<hbm>>
      %dma_wait3A_142 = tpu.memref_squeeze %dma_wait3A_141 : memref<1x160x125xi32, #tpu.memory_space<hbm>> -> memref<160x125xi32, #tpu.memory_space<hbm>>
      tpu.wait_dma2 semaphore(%run_scoped3A : memref<!tpu.dma_semaphore, #tpu.memory_space<semaphore_mem>>) src(%dma_wait3A_142 : memref<160x125xi32, #tpu.memory_space<hbm>>) dst(%arg8 : memref<160x125xi32, #tpu.memory_space<vmem>>)
      tpu.yield
    }) : () -> ()
    %broadcast_in_dim3A = arith.constant 0.000000e+00 : f32
    %broadcast_in_dim3A_2 = vector.broadcast %broadcast_in_dim3A : f32 to vector<16xf32>
    %broadcast_in_dim3A_3 = arith.constant 1.000000e+00 : f32
    %broadcast_in_dim3A_4 = vector.broadcast %broadcast_in_dim3A_3 : f32 to vector<16xf32>
    %scan3A = arith.constant 0 : i32
    %scan3A_5 = arith.constant 0 : i32
    %scan3A_6 = arith.constant 125 : i32
    %scan3A_7 = arith.addi %scan3A_5, %scan3A_6 : i32
    %scan3A_8 = arith.constant 1 : i32
    %scan3A_9 = scf.for %scan3A_127 = %scan3A_5 to %scan3A_7 step %scan3A_8 iter_args(%scan3A_128 = %scan3A) -> (i32)  : i32 {
      %swap3A = arith.index_cast %scan3A_127 : i32 to index
      %swap3A_129 = arith.constant 0 : index
      %swap3A_130 = tpu.vector_load %arg11[%swap3A, %swap3A_129] {strides = array<i32>} : memref<125x16xf32, #tpu.memory_space<vmem>>, vector<1x16xf32>,
      %swap3A_131 = vector.shape_cast %swap3A_130 : vector<1x16xf32> to vector<16xf32>
      %swap3A_132 = vector.shape_cast %broadcast_in_dim3A_4 : vector<16xf32> to vector<1x16xf32>
      tpu.vector_store %arg11[%swap3A, %swap3A_129], %swap3A_132 {strides = array<i32>} : memref<125x16xf32, #tpu.memory_space<vmem>>, vector<1x16xf32>,
      %scan3A_133 = arith.constant 0 : i32
      scf.yield %scan3A_133 : i32
    }
    %scan3A_10 = arith.constant 125 : i32
    %scan3A_11 = arith.constant 0 : i32
    %scan3A_12 = arith.constant 0 : i32
    %scan3A_13 = arith.constant 128 : i32
    %scan3A_14 = arith.addi %scan3A_12, %scan3A_13 : i32
    %scan3A_15 = arith.constant 1 : i32
    %scan3A_16 = scf.for %scan3A_127 = %scan3A_12 to %scan3A_14 step %scan3A_15 iter_args(%scan3A_128 = %scan3A_11) -> (i32)  : i32 {
      %swap3A = arith.index_cast %scan3A_127 : i32 to index
      %swap3A_129 = arith.constant 0 : index
      %swap3A_130 = tpu.vector_load %arg12[%swap3A, %swap3A_129] {strides = array<i32>} : memref<128x16xf32, #tpu.memory_space<vmem>>, vector<1x16xf32>,
      %swap3A_131 = vector.shape_cast %swap3A_130 : vector<1x16xf32> to vector<16xf32>
      %swap3A_132 = vector.shape_cast %broadcast_in_dim3A_2 : vector<16xf32> to vector<1x16xf32>
      tpu.vector_store %arg12[%swap3A, %swap3A_129], %swap3A_132 {strides = array<i32>} : memref<128x16xf32, #tpu.memory_space<vmem>>, vector<1x16xf32>,
      %swap3A_133 = arith.index_cast %scan3A_127 : i32 to index
      %swap3A_134 = arith.constant 0 : index
      %swap3A_135 = tpu.vector_load %arg10[%swap3A_133, %swap3A_134] {strides = array<i32>} : memref<128x64xf32, #tpu.memory_space<vmem>>, vector<1x16xf32>,
      %swap3A_136 = vector.shape_cast %swap3A_135 : vector<1x16xf32> to vector<16xf32>
      %swap3A_137 = vector.shape_cast %broadcast_in_dim3A_2 : vector<16xf32> to vector<1x16xf32>
      tpu.vector_store %arg10[%swap3A_133, %swap3A_134], %swap3A_137 {strides = array<i32>} : memref<128x64xf32, #tpu.memory_space<vmem>>, vector<1x16xf32>,
      %swap3A_138 = arith.index_cast %scan3A_127 : i32 to index
      %swap3A_139 = arith.constant 16 : index
      %swap3A_140 = tpu.vector_load %arg10[%swap3A_138, %swap3A_139] {strides = array<i32>} : memref<128x64xf32, #tpu.memory_space<vmem>>, vector<1x16xf32>,
      %swap3A_141 = vector.shape_cast %swap3A_140 : vector<1x16xf32> to vector<16xf32>
      %swap3A_142 = vector.shape_cast %broadcast_in_dim3A_2 : vector<16xf32> to vector<1x16xf32>
      tpu.vector_store %arg10[%swap3A_138, %swap3A_139], %swap3A_142 {strides = array<i32>} : memref<128x64xf32, #tpu.memory_space<vmem>>, vector<1x16xf32>,
      %swap3A_143 = arith.index_cast %scan3A_127 : i32 to index
      %swap3A_144 = arith.constant 32 : index
      %swap3A_145 = tpu.vector_load %arg10[%swap3A_143, %swap3A_144] {strides = array<i32>} : memref<128x64xf32, #tpu.memory_space<vmem>>, vector<1x16xf32>,
      %swap3A_146 = vector.shape_cast %swap3A_145 : vector<1x16xf32> to vector<16xf32>
      %swap3A_147 = vector.shape_cast %broadcast_in_dim3A_2 : vector<16xf32> to vector<1x16xf32>
      tpu.vector_store %arg10[%swap3A_143, %swap3A_144], %swap3A_147 {strides = array<i32>} : memref<128x64xf32, #tpu.memory_space<vmem>>, vector<1x16xf32>,
      %swap3A_148 = arith.index_cast %scan3A_127 : i32 to index
      %swap3A_149 = arith.constant 48 : index
      %swap3A_150 = tpu.vector_load %arg10[%swap3A_148, %swap3A_149] {strides = array<i32>} : memref<128x64xf32, #tpu.memory_space<vmem>>, vector<1x16xf32>,
      %swap3A_151 = vector.shape_cast %swap3A_150 : vector<1x16xf32> to vector<16xf32>
      %swap3A_152 = vector.shape_cast %broadcast_in_dim3A_2 : vector<16xf32> to vector<1x16xf32>
      tpu.vector_store %arg10[%swap3A_148, %swap3A_149], %swap3A_152 {strides = array<i32>} : memref<128x64xf32, #tpu.memory_space<vmem>>, vector<1x16xf32>,
      %scan3A_153 = arith.constant 0 : i32
      scf.yield %scan3A_153 : i32
    }
    %scan3A_17 = arith.constant 128 : i32
    %scan3A_18 = arith.constant 0 : i32
    %scan3A_19 = arith.constant 0 : i32
    %scan3A_20 = arith.constant 160 : i32
    %scan3A_21 = arith.addi %scan3A_19, %scan3A_20 : i32
    %scan3A_22 = arith.constant 1 : i32
    %scan3A_23 = scf.for %scan3A_127 = %scan3A_19 to %scan3A_21 step %scan3A_22 iter_args(%scan3A_128 = %scan3A_18) -> (i32)  : i32 {
      %get3A = arith.index_cast %scan3A_127 : i32 to index
      %get3A_129 = arith.constant 109 : index
      %get3A_130 = tpu.vector_load %arg7[%get3A, %get3A_129] {strides = array<i32>} : memref<160x125xi32, #tpu.memory_space<vmem>>, vector<1x16xi32>,
      %get3A_131 = vector.shape_cast %get3A_130 : vector<1x16xi32> to vector<16xi32>
      %get3A_132 = arith.index_cast %scan3A_127 : i32 to index
      %get3A_133 = arith.constant 0 : index
      %get3A_134 = tpu.vector_load %arg7[%get3A_132, %get3A_133] {strides = array<i32>} : memref<160x125xi32, #tpu.memory_space<vmem>>, vector<1x16xi32>,
      %get3A_135 = vector.shape_cast %get3A_134 : vector<1x16xi32> to vector<16xi32>
      %add3A_136 = arith.addi %get3A_135, %get3A_135 : vector<16xi32>
      %add3A_137 = vector.broadcast %arg0 : i32 to vector<16xi32>
      %add3A_138 = arith.addi %add3A_136, %add3A_137 : vector<16xi32>
      %swap3A = arith.index_cast %scan3A_127 : i32 to index
      %swap3A_139 = arith.constant 0 : index
      %swap3A_140 = tpu.vector_load %arg7[%swap3A, %swap3A_139] {strides = array<i32>} : memref<160x125xi32, #tpu.memory_space<vmem>>, vector<1x16xi32>,
      %swap3A_141 = vector.shape_cast %swap3A_140 : vector<1x16xi32> to vector<16xi32>
      %swap3A_142 = vector.shape_cast %add3A_138 : vector<16xi32> to vector<1x16xi32>
      tpu.vector_store %arg7[%swap3A, %swap3A_139], %swap3A_142 {strides = array<i32>} : memref<160x125xi32, #tpu.memory_space<vmem>>, vector<1x16xi32>,
      %get3A_143 = arith.index_cast %scan3A_127 : i32 to index
      %get3A_144 = arith.constant 16 : index
      %get3A_145 = tpu.vector_load %arg7[%get3A_143, %get3A_144] {strides = array<i32>} : memref<160x125xi32, #tpu.memory_space<vmem>>, vector<1x16xi32>,
      %get3A_146 = vector.shape_cast %get3A_145 : vector<1x16xi32> to vector<16xi32>
      %add3A_147 = arith.addi %get3A_146, %get3A_146 : vector<16xi32>
      %add3A_148 = vector.broadcast %arg0 : i32 to vector<16xi32>
      %add3A_149 = arith.addi %add3A_147, %add3A_148 : vector<16xi32>
      %swap3A_150 = arith.index_cast %scan3A_127 : i32 to index
      %swap3A_151 = arith.constant 16 : index
      %swap3A_152 = tpu.vector_load %arg7[%swap3A_150, %swap3A_151] {strides = array<i32>} : memref<160x125xi32, #tpu.memory_space<vmem>>, vector<1x16xi32>,
      %swap3A_153 = vector.shape_cast %swap3A_152 : vector<1x16xi32> to vector<16xi32>
      %swap3A_154 = vector.shape_cast %add3A_149 : vector<16xi32> to vector<1x16xi32>
      tpu.vector_store %arg7[%swap3A_150, %swap3A_151], %swap3A_154 {strides = array<i32>} : memref<160x125xi32, #tpu.memory_space<vmem>>, vector<1x16xi32>,
      %get3A_155 = arith.index_cast %scan3A_127 : i32 to index
      %get3A_156 = arith.constant 32 : index
      %get3A_157 = tpu.vector_load %arg7[%get3A_155, %get3A_156] {strides = array<i32>} : memref<160x125xi32, #tpu.memory_space<vmem>>, vector<1x16xi32>,
      %get3A_158 = vector.shape_cast %get3A_157 : vector<1x16xi32> to vector<16xi32>
      %add3A_159 = arith.addi %get3A_158, %get3A_158 : vector<16xi32>
      %add3A_160 = vector.broadcast %arg0 : i32 to vector<16xi32>
      %add3A_161 = arith.addi %add3A_159, %add3A_160 : vector<16xi32>
      %swap3A_162 = arith.index_cast %scan3A_127 : i32 to index
      %swap3A_163 = arith.constant 32 : index
      %swap3A_164 = tpu.vector_load %arg7[%swap3A_162, %swap3A_163] {strides = array<i32>} : memref<160x125xi32, #tpu.memory_space<vmem>>, vector<1x16xi32>,
      %swap3A_165 = vector.shape_cast %swap3A_164 : vector<1x16xi32> to vector<16xi32>
      %swap3A_166 = vector.shape_cast %add3A_161 : vector<16xi32> to vector<1x16xi32>
      tpu.vector_store %arg7[%swap3A_162, %swap3A_163], %swap3A_166 {strides = array<i32>} : memref<160x125xi32, #tpu.memory_space<vmem>>, vector<1x16xi32>,
      %get3A_167 = arith.index_cast %scan3A_127 : i32 to index
      %get3A_168 = arith.constant 48 : index
      %get3A_169 = tpu.vector_load %arg7[%get3A_167, %get3A_168] {strides = array<i32>} : memref<160x125xi32, #tpu.memory_space<vmem>>, vector<1x16xi32>,
      %get3A_170 = vector.shape_cast %get3A_169 : vector<1x16xi32> to vector<16xi32>
      %add3A_171 = arith.addi %get3A_170, %get3A_170 : vector<16xi32>
      %add3A_172 = vector.broadcast %arg0 : i32 to vector<16xi32>
      %add3A_173 = arith.addi %add3A_171, %add3A_172 : vector<16xi32>
      %swap3A_174 = arith.index_cast %scan3A_127 : i32 to index
      %swap3A_175 = arith.constant 48 : index
      %swap3A_176 = tpu.vector_load %arg7[%swap3A_174, %swap3A_175] {strides = array<i32>} : memref<160x125xi32, #tpu.memory_space<vmem>>, vector<1x16xi32>,
      %swap3A_177 = vector.shape_cast %swap3A_176 : vector<1x16xi32> to vector<16xi32>
      %swap3A_178 = vector.shape_cast %add3A_173 : vector<16xi32> to vector<1x16xi32>
      tpu.vector_store %arg7[%swap3A_174, %swap3A_175], %swap3A_178 {strides = array<i32>} : memref<160x125xi32, #tpu.memory_space<vmem>>, vector<1x16xi32>,
      %get3A_179 = arith.index_cast %scan3A_127 : i32 to index
      %get3A_180 = arith.constant 64 : index
      %get3A_181 = tpu.vector_load %arg7[%get3A_179, %get3A_180] {strides = array<i32>} : memref<160x125xi32, #tpu.memory_space<vmem>>, vector<1x16xi32>,
      %get3A_182 = vector.shape_cast %get3A_181 : vector<1x16xi32> to vector<16xi32>
      %add3A_183 = arith.addi %get3A_182, %get3A_182 : vector<16xi32>
      %add3A_184 = vector.broadcast %arg0 : i32 to vector<16xi32>
      %add3A_185 = arith.addi %add3A_183, %add3A_184 : vector<16xi32>
      %swap3A_186 = arith.index_cast %scan3A_127 : i32 to index
      %swap3A_187 = arith.constant 64 : index
      %swap3A_188 = tpu.vector_load %arg7[%swap3A_186, %swap3A_187] {strides = array<i32>} : memref<160x125xi32, #tpu.memory_space<vmem>>, vector<1x16xi32>,
      %swap3A_189 = vector.shape_cast %swap3A_188 : vector<1x16xi32> to vector<16xi32>
      %swap3A_190 = vector.shape_cast %add3A_185 : vector<16xi32> to vector<1x16xi32>
      tpu.vector_store %arg7[%swap3A_186, %swap3A_187], %swap3A_190 {strides = array<i32>} : memref<160x125xi32, #tpu.memory_space<vmem>>, vector<1x16xi32>,
      %get3A_191 = arith.index_cast %scan3A_127 : i32 to index
      %get3A_192 = arith.constant 80 : index
      %get3A_193 = tpu.vector_load %arg7[%get3A_191, %get3A_192] {strides = array<i32>} : memref<160x125xi32, #tpu.memory_space<vmem>>, vector<1x16xi32>,
      %get3A_194 = vector.shape_cast %get3A_193 : vector<1x16xi32> to vector<16xi32>
      %add3A_195 = arith.addi %get3A_194, %get3A_194 : vector<16xi32>
      %add3A_196 = vector.broadcast %arg0 : i32 to vector<16xi32>
      %add3A_197 = arith.addi %add3A_195, %add3A_196 : vector<16xi32>
      %swap3A_198 = arith.index_cast %scan3A_127 : i32 to index
      %swap3A_199 = arith.constant 80 : index
      %swap3A_200 = tpu.vector_load %arg7[%swap3A_198, %swap3A_199] {strides = array<i32>} : memref<160x125xi32, #tpu.memory_space<vmem>>, vector<1x16xi32>,
      %swap3A_201 = vector.shape_cast %swap3A_200 : vector<1x16xi32> to vector<16xi32>
      %swap3A_202 = vector.shape_cast %add3A_197 : vector<16xi32> to vector<1x16xi32>
      tpu.vector_store %arg7[%swap3A_198, %swap3A_199], %swap3A_202 {strides = array<i32>} : memref<160x125xi32, #tpu.memory_space<vmem>>, vector<1x16xi32>,
      %get3A_203 = arith.index_cast %scan3A_127 : i32 to index
      %get3A_204 = arith.constant 96 : index
      %get3A_205 = tpu.vector_load %arg7[%get3A_203, %get3A_204] {strides = array<i32>} : memref<160x125xi32, #tpu.memory_space<vmem>>, vector<1x16xi32>,
      %get3A_206 = vector.shape_cast %get3A_205 : vector<1x16xi32> to vector<16xi32>
      %add3A_207 = arith.addi %get3A_206, %get3A_206 : vector<16xi32>
      %add3A_208 = vector.broadcast %arg0 : i32 to vector<16xi32>
      %add3A_209 = arith.addi %add3A_207, %add3A_208 : vector<16xi32>
      %swap3A_210 = arith.index_cast %scan3A_127 : i32 to index
      %swap3A_211 = arith.constant 96 : index
      %swap3A_212 = tpu.vector_load %arg7[%swap3A_210, %swap3A_211] {strides = array<i32>} : memref<160x125xi32, #tpu.memory_space<vmem>>, vector<1x16xi32>,
      %swap3A_213 = vector.shape_cast %swap3A_212 : vector<1x16xi32> to vector<16xi32>
      %swap3A_214 = vector.shape_cast %add3A_209 : vector<16xi32> to vector<1x16xi32>
      tpu.vector_store %arg7[%swap3A_210, %swap3A_211], %swap3A_214 {strides = array<i32>} : memref<160x125xi32, #tpu.memory_space<vmem>>, vector<1x16xi32>,
      %add3A_215 = arith.addi %get3A_131, %get3A_131 : vector<16xi32>
      %add3A_216 = vector.broadcast %arg0 : i32 to vector<16xi32>
      %add3A_217 = arith.addi %add3A_215, %add3A_216 : vector<16xi32>
      %swap3A_218 = arith.index_cast %scan3A_127 : i32 to index
      %swap3A_219 = arith.constant 109 : index
      %swap3A_220 = tpu.vector_load %arg7[%swap3A_218, %swap3A_219] {strides = array<i32>} : memref<160x125xi32, #tpu.memory_space<vmem>>, vector<1x16xi32>,
      %swap3A_221 = vector.shape_cast %swap3A_220 : vector<1x16xi32> to vector<16xi32>
      %swap3A_222 = vector.shape_cast %add3A_217 : vector<16xi32> to vector<1x16xi32>
      tpu.vector_store %arg7[%swap3A_218, %swap3A_219], %swap3A_222 {strides = array<i32>} : memref<160x125xi32, #tpu.memory_space<vmem>>, vector<1x16xi32>,
      %scan3A_223 = arith.constant 0 : i32
      scf.yield %scan3A_223 : i32
    }
    %scan3A_24 = arith.constant 160 : i32
    %mul3A_25 = arith.constant 640 : i32
    %mul3A_26 = arith.muli %arg1, %mul3A_25 : i32
    %add3A_27 = arith.constant 0 : i32
    %add3A_28 = arith.addi %mul3A_26, %add3A_27 : i32
    "tpu.region"() ({
      %run_scoped3A = tpu.sem_alloc : memref<!tpu.dma_semaphore, #tpu.memory_space<semaphore_mem>>
      %dma_start3A_127 = arith.constant 0 : i32
      %dma_start3A_128 = tpu.memref_slice %arg13[%add3A_28, %dma_start3A_127] : memref<10240x64xf32, #tpu.memory_space<vmem_shared>> -> memref<128x64xf32, #tpu.memory_space<vmem_shared>>
      %dma_start3A_129 = arith.constant 0 : i32
      %dma_start3A_130 = tpu.memref_slice %arg13[%add3A_28, %dma_start3A_129] : memref<10240x64xf32, #tpu.memory_space<vmem_shared>> -> memref<128x64xf32, #tpu.memory_space<vmem_shared>>
      tpu.enqueue_dma source(%arg10 : memref<128x64xf32, #tpu.memory_space<vmem>>) target(%dma_start3A_130 : memref<128x64xf32, #tpu.memory_space<vmem_shared>>) target_semaphore(%run_scoped3A : memref<!tpu.dma_semaphore, #tpu.memory_space<semaphore_mem>>)
      %dma_wait3A_131 = arith.constant 0 : i32
      %dma_wait3A_132 = tpu.memref_slice %arg13[%add3A_28, %dma_wait3A_131] : memref<10240x64xf32, #tpu.memory_space<vmem_shared>> -> memref<128x64xf32, #tpu.memory_space<vmem_shared>>
      %dma_wait3A_133 = arith.constant 0 : i32
      %dma_wait3A_134 = tpu.memref_slice %arg13[%add3A_28, %dma_wait3A_133] : memref<10240x64xf32, #tpu.memory_space<vmem_shared>> -> memref<128x64xf32, #tpu.memory_space<vmem_shared>>
      tpu.wait_dma2 semaphore(%run_scoped3A : memref<!tpu.dma_semaphore, #tpu.memory_space<semaphore_mem>>) src(%arg10 : memref<128x64xf32, #tpu.memory_space<vmem>>) dst(%dma_wait3A_134 : memref<128x64xf32, #tpu.memory_space<vmem_shared>>)
      tpu.yield
    }) : () -> ()
    %mul3A_29 = arith.constant 640 : i32
    %mul3A_30 = arith.muli %arg1, %mul3A_29 : i32
    %add3A_31 = arith.constant 0 : i32
    %add3A_32 = arith.addi %mul3A_30, %add3A_31 : i32
    "tpu.region"() ({
      %run_scoped3A = tpu.sem_alloc : memref<!tpu.dma_semaphore, #tpu.memory_space<semaphore_mem>>
      %dma_start3A_127 = arith.constant 0 : i32
      %dma_start3A_128 = tpu.memref_slice %arg14[%add3A_32, %dma_start3A_127] : memref<10240x16xf32, #tpu.memory_space<vmem_shared>> -> memref<128x16xf32, #tpu.memory_space<vmem_shared>>
      %dma_start3A_129 = arith.constant 0 : i32
      %dma_start3A_130 = tpu.memref_slice %arg14[%add3A_32, %dma_start3A_129] : memref<10240x16xf32, #tpu.memory_space<vmem_shared>> -> memref<128x16xf32, #tpu.memory_space<vmem_shared>>
      tpu.enqueue_dma source(%arg12 : memref<128x16xf32, #tpu.memory_space<vmem>>) target(%dma_start3A_130 : memref<128x16xf32, #tpu.memory_space<vmem_shared>>) target_semaphore(%run_scoped3A : memref<!tpu.dma_semaphore, #tpu.memory_space<semaphore_mem>>)
      %dma_wait3A_131 = arith.constant 0 : i32
      %dma_wait3A_132 = tpu.memref_slice %arg14[%add3A_32, %dma_wait3A_131] : memref<10240x16xf32, #tpu.memory_space<vmem_shared>> -> memref<128x16xf32, #tpu.memory_space<vmem_shared>>
      %dma_wait3A_133 = arith.constant 0 : i32
      %dma_wait3A_134 = tpu.memref_slice %arg14[%add3A_32, %dma_wait3A_133] : memref<10240x16xf32, #tpu.memory_space<vmem_shared>> -> memref<128x16xf32, #tpu.memory_space<vmem_shared>>
      tpu.wait_dma2 semaphore(%run_scoped3A : memref<!tpu.dma_semaphore, #tpu.memory_space<semaphore_mem>>) src(%arg12 : memref<128x16xf32, #tpu.memory_space<vmem>>) dst(%dma_wait3A_134 : memref<128x16xf32, #tpu.memory_space<vmem_shared>>)
      tpu.yield
    }) : () -> ()
    %mul3A_33 = arith.constant 640 : i32
    %mul3A_34 = arith.muli %arg1, %mul3A_33 : i32
    %add3A_35 = arith.constant 128 : i32
    %add3A_36 = arith.addi %mul3A_34, %add3A_35 : i32
    "tpu.region"() ({
      %run_scoped3A = tpu.sem_alloc : memref<!tpu.dma_semaphore, #tpu.memory_space<semaphore_mem>>
      %dma_start3A_127 = arith.constant 0 : i32
      %dma_start3A_128 = tpu.memref_slice %arg13[%add3A_36, %dma_start3A_127] : memref<10240x64xf32, #tpu.memory_space<vmem_shared>> -> memref<128x64xf32, #tpu.memory_space<vmem_shared>>
      %dma_start3A_129 = arith.constant 0 : i32
      %dma_start3A_130 = tpu.memref_slice %arg13[%add3A_36, %dma_start3A_129] : memref<10240x64xf32, #tpu.memory_space<vmem_shared>> -> memref<128x64xf32, #tpu.memory_space<vmem_shared>>
      tpu.enqueue_dma source(%arg10 : memref<128x64xf32, #tpu.memory_space<vmem>>) target(%dma_start3A_130 : memref<128x64xf32, #tpu.memory_space<vmem_shared>>) target_semaphore(%run_scoped3A : memref<!tpu.dma_semaphore, #tpu.memory_space<semaphore_mem>>)
      %dma_wait3A_131 = arith.constant 0 : i32
      %dma_wait3A_132 = tpu.memref_slice %arg13[%add3A_36, %dma_wait3A_131] : memref<10240x64xf32, #tpu.memory_space<vmem_shared>> -> memref<128x64xf32, #tpu.memory_space<vmem_shared>>
      %dma_wait3A_133 = arith.constant 0 : i32
      %dma_wait3A_134 = tpu.memref_slice %arg13[%add3A_36, %dma_wait3A_133] : memref<10240x64xf32, #tpu.memory_space<vmem_shared>> -> memref<128x64xf32, #tpu.memory_space<vmem_shared>>
      tpu.wait_dma2 semaphore(%run_scoped3A : memref<!tpu.dma_semaphore, #tpu.memory_space<semaphore_mem>>) src(%arg10 : memref<128x64xf32, #tpu.memory_space<vmem>>) dst(%dma_wait3A_134 : memref<128x64xf32, #tpu.memory_space<vmem_shared>>)
      tpu.yield
    }) : () -> ()
    %mul3A_37 = arith.constant 640 : i32
    %mul3A_38 = arith.muli %arg1, %mul3A_37 : i32
    %add3A_39 = arith.constant 128 : i32
    %add3A_40 = arith.addi %mul3A_38, %add3A_39 : i32
    "tpu.region"() ({
      %run_scoped3A = tpu.sem_alloc : memref<!tpu.dma_semaphore, #tpu.memory_space<semaphore_mem>>
      %dma_start3A_127 = arith.constant 0 : i32
      %dma_start3A_128 = tpu.memref_slice %arg14[%add3A_40, %dma_start3A_127] : memref<10240x16xf32, #tpu.memory_space<vmem_shared>> -> memref<128x16xf32, #tpu.memory_space<vmem_shared>>
      %dma_start3A_129 = arith.constant 0 : i32
      %dma_start3A_130 = tpu.memref_slice %arg14[%add3A_40, %dma_start3A_129] : memref<10240x16xf32, #tpu.memory_space<vmem_shared>> -> memref<128x16xf32, #tpu.memory_space<vmem_shared>>
      tpu.enqueue_dma source(%arg12 : memref<128x16xf32, #tpu.memory_space<vmem>>) target(%dma_start3A_130 : memref<128x16xf32, #tpu.memory_space<vmem_shared>>) target_semaphore(%run_scoped3A : memref<!tpu.dma_semaphore, #tpu.memory_space<semaphore_mem>>)
      %dma_wait3A_131 = arith.constant 0 : i32
      %dma_wait3A_132 = tpu.memref_slice %arg14[%add3A_40, %dma_wait3A_131] : memref<10240x16xf32, #tpu.memory_space<vmem_shared>> -> memref<128x16xf32, #tpu.memory_space<vmem_shared>>
      %dma_wait3A_133 = arith.constant 0 : i32
      %dma_wait3A_134 = tpu.memref_slice %arg14[%add3A_40, %dma_wait3A_133] : memref<10240x16xf32, #tpu.memory_space<vmem_shared>> -> memref<128x16xf32, #tpu.memory_space<vmem_shared>>
      tpu.wait_dma2 semaphore(%run_scoped3A : memref<!tpu.dma_semaphore, #tpu.memory_space<semaphore_mem>>) src(%arg12 : memref<128x16xf32, #tpu.memory_space<vmem>>) dst(%dma_wait3A_134 : memref<128x16xf32, #tpu.memory_space<vmem_shared>>)
      tpu.yield
    }) : () -> ()
    %mul3A_41 = arith.constant 640 : i32
    %mul3A_42 = arith.muli %arg1, %mul3A_41 : i32
    %add3A_43 = arith.constant 256 : i32
    %add3A_44 = arith.addi %mul3A_42, %add3A_43 : i32
    "tpu.region"() ({
      %run_scoped3A = tpu.sem_alloc : memref<!tpu.dma_semaphore, #tpu.memory_space<semaphore_mem>>
      %dma_start3A_127 = arith.constant 0 : i32
      %dma_start3A_128 = tpu.memref_slice %arg13[%add3A_44, %dma_start3A_127] : memref<10240x64xf32, #tpu.memory_space<vmem_shared>> -> memref<128x64xf32, #tpu.memory_space<vmem_shared>>
      %dma_start3A_129 = arith.constant 0 : i32
      %dma_start3A_130 = tpu.memref_slice %arg13[%add3A_44, %dma_start3A_129] : memref<10240x64xf32, #tpu.memory_space<vmem_shared>> -> memref<128x64xf32, #tpu.memory_space<vmem_shared>>
      tpu.enqueue_dma source(%arg10 : memref<128x64xf32, #tpu.memory_space<vmem>>) target(%dma_start3A_130 : memref<128x64xf32, #tpu.memory_space<vmem_shared>>) target_semaphore(%run_scoped3A : memref<!tpu.dma_semaphore, #tpu.memory_space<semaphore_mem>>)
      %dma_wait3A_131 = arith.constant 0 : i32
      %dma_wait3A_132 = tpu.memref_slice %arg13[%add3A_44, %dma_wait3A_131] : memref<10240x64xf32, #tpu.memory_space<vmem_shared>> -> memref<128x64xf32, #tpu.memory_space<vmem_shared>>
      %dma_wait3A_133 = arith.constant 0 : i32
      %dma_wait3A_134 = tpu.memref_slice %arg13[%add3A_44, %dma_wait3A_133] : memref<10240x64xf32, #tpu.memory_space<vmem_shared>> -> memref<128x64xf32, #tpu.memory_space<vmem_shared>>
      tpu.wait_dma2 semaphore(%run_scoped3A : memref<!tpu.dma_semaphore, #tpu.memory_space<semaphore_mem>>) src(%arg10 : memref<128x64xf32, #tpu.memory_space<vmem>>) dst(%dma_wait3A_134 : memref<128x64xf32, #tpu.memory_space<vmem_shared>>)
      tpu.yield
    }) : () -> ()
    %mul3A_45 = arith.constant 640 : i32
    %mul3A_46 = arith.muli %arg1, %mul3A_45 : i32
    %add3A_47 = arith.constant 256 : i32
    %add3A_48 = arith.addi %mul3A_46, %add3A_47 : i32
    "tpu.region"() ({
      %run_scoped3A = tpu.sem_alloc : memref<!tpu.dma_semaphore, #tpu.memory_space<semaphore_mem>>
      %dma_start3A_127 = arith.constant 0 : i32
      %dma_start3A_128 = tpu.memref_slice %arg14[%add3A_48, %dma_start3A_127] : memref<10240x16xf32, #tpu.memory_space<vmem_shared>> -> memref<128x16xf32, #tpu.memory_space<vmem_shared>>
      %dma_start3A_129 = arith.constant 0 : i32
      %dma_start3A_130 = tpu.memref_slice %arg14[%add3A_48, %dma_start3A_129] : memref<10240x16xf32, #tpu.memory_space<vmem_shared>> -> memref<128x16xf32, #tpu.memory_space<vmem_shared>>
      tpu.enqueue_dma source(%arg12 : memref<128x16xf32, #tpu.memory_space<vmem>>) target(%dma_start3A_130 : memref<128x16xf32, #tpu.memory_space<vmem_shared>>) target_semaphore(%run_scoped3A : memref<!tpu.dma_semaphore, #tpu.memory_space<semaphore_mem>>)
      %dma_wait3A_131 = arith.constant 0 : i32
      %dma_wait3A_132 = tpu.memref_slice %arg14[%add3A_48, %dma_wait3A_131] : memref<10240x16xf32, #tpu.memory_space<vmem_shared>> -> memref<128x16xf32, #tpu.memory_space<vmem_shared>>
      %dma_wait3A_133 = arith.constant 0 : i32
      %dma_wait3A_134 = tpu.memref_slice %arg14[%add3A_48, %dma_wait3A_133] : memref<10240x16xf32, #tpu.memory_space<vmem_shared>> -> memref<128x16xf32, #tpu.memory_space<vmem_shared>>
      tpu.wait_dma2 semaphore(%run_scoped3A : memref<!tpu.dma_semaphore, #tpu.memory_space<semaphore_mem>>) src(%arg12 : memref<128x16xf32, #tpu.memory_space<vmem>>) dst(%dma_wait3A_134 : memref<128x16xf32, #tpu.memory_space<vmem_shared>>)
      tpu.yield
    }) : () -> ()
    %mul3A_49 = arith.constant 640 : i32
    %mul3A_50 = arith.muli %arg1, %mul3A_49 : i32
    %add3A_51 = arith.constant 384 : i32
    %add3A_52 = arith.addi %mul3A_50, %add3A_51 : i32
    "tpu.region"() ({
      %run_scoped3A = tpu.sem_alloc : memref<!tpu.dma_semaphore, #tpu.memory_space<semaphore_mem>>
      %dma_start3A_127 = arith.constant 0 : i32
      %dma_start3A_128 = tpu.memref_slice %arg13[%add3A_52, %dma_start3A_127] : memref<10240x64xf32, #tpu.memory_space<vmem_shared>> -> memref<128x64xf32, #tpu.memory_space<vmem_shared>>
      %dma_start3A_129 = arith.constant 0 : i32
      %dma_start3A_130 = tpu.memref_slice %arg13[%add3A_52, %dma_start3A_129] : memref<10240x64xf32, #tpu.memory_space<vmem_shared>> -> memref<128x64xf32, #tpu.memory_space<vmem_shared>>
      tpu.enqueue_dma source(%arg10 : memref<128x64xf32, #tpu.memory_space<vmem>>) target(%dma_start3A_130 : memref<128x64xf32, #tpu.memory_space<vmem_shared>>) target_semaphore(%run_scoped3A : memref<!tpu.dma_semaphore, #tpu.memory_space<semaphore_mem>>)
      %dma_wait3A_131 = arith.constant 0 : i32
      %dma_wait3A_132 = tpu.memref_slice %arg13[%add3A_52, %dma_wait3A_131] : memref<10240x64xf32, #tpu.memory_space<vmem_shared>> -> memref<128x64xf32, #tpu.memory_space<vmem_shared>>
      %dma_wait3A_133 = arith.constant 0 : i32
      %dma_wait3A_134 = tpu.memref_slice %arg13[%add3A_52, %dma_wait3A_133] : memref<10240x64xf32, #tpu.memory_space<vmem_shared>> -> memref<128x64xf32, #tpu.memory_space<vmem_shared>>
      tpu.wait_dma2 semaphore(%run_scoped3A : memref<!tpu.dma_semaphore, #tpu.memory_space<semaphore_mem>>) src(%arg10 : memref<128x64xf32, #tpu.memory_space<vmem>>) dst(%dma_wait3A_134 : memref<128x64xf32, #tpu.memory_space<vmem_shared>>)
      tpu.yield
    }) : () -> ()
    %mul3A_53 = arith.constant 640 : i32
    %mul3A_54 = arith.muli %arg1, %mul3A_53 : i32
    %add3A_55 = arith.constant 384 : i32
    %add3A_56 = arith.addi %mul3A_54, %add3A_55 : i32
    "tpu.region"() ({
      %run_scoped3A = tpu.sem_alloc : memref<!tpu.dma_semaphore, #tpu.memory_space<semaphore_mem>>
      %dma_start3A_127 = arith.constant 0 : i32
      %dma_start3A_128 = tpu.memref_slice %arg14[%add3A_56, %dma_start3A_127] : memref<10240x16xf32, #tpu.memory_space<vmem_shared>> -> memref<128x16xf32, #tpu.memory_space<vmem_shared>>
      %dma_start3A_129 = arith.constant 0 : i32
      %dma_start3A_130 = tpu.memref_slice %arg14[%add3A_56, %dma_start3A_129] : memref<10240x16xf32, #tpu.memory_space<vmem_shared>> -> memref<128x16xf32, #tpu.memory_space<vmem_shared>>
      tpu.enqueue_dma source(%arg12 : memref<128x16xf32, #tpu.memory_space<vmem>>) target(%dma_start3A_130 : memref<128x16xf32, #tpu.memory_space<vmem_shared>>) target_semaphore(%run_scoped3A : memref<!tpu.dma_semaphore, #tpu.memory_space<semaphore_mem>>)
      %dma_wait3A_131 = arith.constant 0 : i32
      %dma_wait3A_132 = tpu.memref_slice %arg14[%add3A_56, %dma_wait3A_131] : memref<10240x16xf32, #tpu.memory_space<vmem_shared>> -> memref<128x16xf32, #tpu.memory_space<vmem_shared>>
      %dma_wait3A_133 = arith.constant 0 : i32
      %dma_wait3A_134 = tpu.memref_slice %arg14[%add3A_56, %dma_wait3A_133] : memref<10240x16xf32, #tpu.memory_space<vmem_shared>> -> memref<128x16xf32, #tpu.memory_space<vmem_shared>>
      tpu.wait_dma2 semaphore(%run_scoped3A : memref<!tpu.dma_semaphore, #tpu.memory_space<semaphore_mem>>) src(%arg12 : memref<128x16xf32, #tpu.memory_space<vmem>>) dst(%dma_wait3A_134 : memref<128x16xf32, #tpu.memory_space<vmem_shared>>)
      tpu.yield
    }) : () -> ()
    %mul3A_57 = arith.constant 640 : i32
    %mul3A_58 = arith.muli %arg1, %mul3A_57 : i32
    %add3A_59 = arith.constant 512 : i32
    %add3A_60 = arith.addi %mul3A_58, %add3A_59 : i32
    "tpu.region"() ({
      %run_scoped3A = tpu.sem_alloc : memref<!tpu.dma_semaphore, #tpu.memory_space<semaphore_mem>>
      %dma_start3A_127 = arith.constant 0 : i32
      %dma_start3A_128 = tpu.memref_slice %arg13[%add3A_60, %dma_start3A_127] : memref<10240x64xf32, #tpu.memory_space<vmem_shared>> -> memref<128x64xf32, #tpu.memory_space<vmem_shared>>
      %dma_start3A_129 = arith.constant 0 : i32
      %dma_start3A_130 = tpu.memref_slice %arg13[%add3A_60, %dma_start3A_129] : memref<10240x64xf32, #tpu.memory_space<vmem_shared>> -> memref<128x64xf32, #tpu.memory_space<vmem_shared>>
      tpu.enqueue_dma source(%arg10 : memref<128x64xf32, #tpu.memory_space<vmem>>) target(%dma_start3A_130 : memref<128x64xf32, #tpu.memory_space<vmem_shared>>) target_semaphore(%run_scoped3A : memref<!tpu.dma_semaphore, #tpu.memory_space<semaphore_mem>>)
      %dma_wait3A_131 = arith.constant 0 : i32
      %dma_wait3A_132 = tpu.memref_slice %arg13[%add3A_60, %dma_wait3A_131] : memref<10240x64xf32, #tpu.memory_space<vmem_shared>> -> memref<128x64xf32, #tpu.memory_space<vmem_shared>>
      %dma_wait3A_133 = arith.constant 0 : i32
      %dma_wait3A_134 = tpu.memref_slice %arg13[%add3A_60, %dma_wait3A_133] : memref<10240x64xf32, #tpu.memory_space<vmem_shared>> -> memref<128x64xf32, #tpu.memory_space<vmem_shared>>
      tpu.wait_dma2 semaphore(%run_scoped3A : memref<!tpu.dma_semaphore, #tpu.memory_space<semaphore_mem>>) src(%arg10 : memref<128x64xf32, #tpu.memory_space<vmem>>) dst(%dma_wait3A_134 : memref<128x64xf32, #tpu.memory_space<vmem_shared>>)
      tpu.yield
    }) : () -> ()
    %mul3A_61 = arith.constant 640 : i32
    %mul3A_62 = arith.muli %arg1, %mul3A_61 : i32
    %add3A_63 = arith.constant 512 : i32
    %add3A_64 = arith.addi %mul3A_62, %add3A_63 : i32
    "tpu.region"() ({
      %run_scoped3A = tpu.sem_alloc : memref<!tpu.dma_semaphore, #tpu.memory_space<semaphore_mem>>
      %dma_start3A_127 = arith.constant 0 : i32
      %dma_start3A_128 = tpu.memref_slice %arg14[%add3A_64, %dma_start3A_127] : memref<10240x16xf32, #tpu.memory_space<vmem_shared>> -> memref<128x16xf32, #tpu.memory_space<vmem_shared>>
      %dma_start3A_129 = arith.constant 0 : i32
      %dma_start3A_130 = tpu.memref_slice %arg14[%add3A_64, %dma_start3A_129] : memref<10240x16xf32, #tpu.memory_space<vmem_shared>> -> memref<128x16xf32, #tpu.memory_space<vmem_shared>>
      tpu.enqueue_dma source(%arg12 : memref<128x16xf32, #tpu.memory_space<vmem>>) target(%dma_start3A_130 : memref<128x16xf32, #tpu.memory_space<vmem_shared>>) target_semaphore(%run_scoped3A : memref<!tpu.dma_semaphore, #tpu.memory_space<semaphore_mem>>)
      %dma_wait3A_131 = arith.constant 0 : i32
      %dma_wait3A_132 = tpu.memref_slice %arg14[%add3A_64, %dma_wait3A_131] : memref<10240x16xf32, #tpu.memory_space<vmem_shared>> -> memref<128x16xf32, #tpu.memory_space<vmem_shared>>
      %dma_wait3A_133 = arith.constant 0 : i32
      %dma_wait3A_134 = tpu.memref_slice %arg14[%add3A_64, %dma_wait3A_133] : memref<10240x16xf32, #tpu.memory_space<vmem_shared>> -> memref<128x16xf32, #tpu.memory_space<vmem_shared>>
      tpu.wait_dma2 semaphore(%run_scoped3A : memref<!tpu.dma_semaphore, #tpu.memory_space<semaphore_mem>>) src(%arg12 : memref<128x16xf32, #tpu.memory_space<vmem>>) dst(%dma_wait3A_134 : memref<128x16xf32, #tpu.memory_space<vmem_shared>>)
      tpu.yield
    }) : () -> ()
    %barrier3A = arith.constant 0 : index
    tpu.barrier barrier_id(%barrier3A)
    %dma_start3A = arith.constant 0 : i32
    %dma_start3A_65 = arith.constant 0 : i32
    %dma_start3A_66 = arith.constant 0 : i32
    %dma_start3A_67 = arith.constant 0 : i32
    %dma_start3A_68 = tpu.memref_slice %arg9[%dma_start3A_65, %dma_start3A_66, %dma_start3A_67] : memref<2x125x64xf32, #tpu.memory_space<vmem>> -> memref<1x125x64xf32, #tpu.memory_space<vmem>>
    %dma_start3A_69 = tpu.memref_squeeze %dma_start3A_68 : memref<1x125x64xf32, #tpu.memory_space<vmem>> -> memref<125x64xf32, #tpu.memory_space<vmem>>
    %dma_start3A_70 = arith.constant 0 : i32
    %dma_start3A_71 = tpu.memref_slice %arg7[%dma_start3A, %dma_start3A_70] : memref<160x125xi32, #tpu.memory_space<vmem>> -> memref<1x125xi32, #tpu.memory_space<vmem>>
    %dma_start3A_72 = tpu.memref_squeeze %dma_start3A_71 : memref<1x125xi32, #tpu.memory_space<vmem>> -> memref<125xi32, #tpu.memory_space<vmem>>
    %dma_start3A_73 = arith.constant 0 : i32
    %dma_start3A_74 = arith.constant 0 : i32
    %dma_start3A_75 = tpu.memref_slice %arg2[%dma_start3A_73, %dma_start3A_74] : memref<20000x64xf32, #tpu.memory_space<hbm>> -> memref<20000x64xf32, #tpu.memory_space<hbm>>
    tpu.enqueue_indirect_dma source(%dma_start3A_75 : memref<20000x64xf32, #tpu.memory_space<hbm>>) target(%dma_start3A_69 : memref<125x64xf32, #tpu.memory_space<vmem>>) offsets(%dma_start3A_72 : memref<125xi32, #tpu.memory_space<vmem>>) semaphore(%arg15 : memref<!tpu.dma_semaphore, #tpu.memory_space<semaphore_mem>>)
    %dma_start3A_76 = arith.constant 1 : i32
    %dma_start3A_77 = arith.constant 1 : i32
    %dma_start3A_78 = arith.constant 0 : i32
    %dma_start3A_79 = arith.constant 0 : i32
    %dma_start3A_80 = tpu.memref_slice %arg9[%dma_start3A_77, %dma_start3A_78, %dma_start3A_79] : memref<2x125x64xf32, #tpu.memory_space<vmem>> -> memref<1x125x64xf32, #tpu.memory_space<vmem>>
    %dma_start3A_81 = tpu.memref_squeeze %dma_start3A_80 : memref<1x125x64xf32, #tpu.memory_space<vmem>> -> memref<125x64xf32, #tpu.memory_space<vmem>>
    %dma_start3A_82 = arith.constant 0 : i32
    %dma_start3A_83 = tpu.memref_slice %arg7[%dma_start3A_76, %dma_start3A_82] : memref<160x125xi32, #tpu.memory_space<vmem>> -> memref<1x125xi32, #tpu.memory_space<vmem>>
    %dma_start3A_84 = tpu.memref_squeeze %dma_start3A_83 : memref<1x125xi32, #tpu.memory_space<vmem>> -> memref<125xi32, #tpu.memory_space<vmem>>
    %dma_start3A_85 = arith.constant 0 : i32
    %dma_start3A_86 = arith.constant 0 : i32
    %dma_start3A_87 = tpu.memref_slice %arg2[%dma_start3A_85, %dma_start3A_86] : memref<20000x64xf32, #tpu.memory_space<hbm>> -> memref<20000x64xf32, #tpu.memory_space<hbm>>
    tpu.enqueue_indirect_dma source(%dma_start3A_87 : memref<20000x64xf32, #tpu.memory_space<hbm>>) target(%dma_start3A_81 : memref<125x64xf32, #tpu.memory_space<vmem>>) offsets(%dma_start3A_84 : memref<125xi32, #tpu.memory_space<vmem>>) semaphore(%arg16 : memref<!tpu.dma_semaphore, #tpu.memory_space<semaphore_mem>>)
    %scan3A_88 = arith.constant 0 : i32
    %scan3A_89 = arith.constant 0 : i32
    %scan3A_90 = arith.constant 80 : i32
    %scan3A_91 = arith.addi %scan3A_89, %scan3A_90 : i32
    %scan3A_92 = arith.constant 1 : i32
    %scan3A_93 = scf.for %scan3A_127 = %scan3A_89 to %scan3A_91 step %scan3A_92 iter_args(%scan3A_128 = %scan3A_88) -> (i32)  : i32 {
      %mul3A_129 = arith.constant 2 : i32
      %mul3A_130 = arith.muli %mul3A_129, %scan3A_127 : i32
      %add3A_131 = arith.constant 0 : i32
      %add3A_132 = arith.addi %mul3A_130, %add3A_131 : i32
      %dma_wait3A_133 = arith.constant 0 : i32
      %dma_wait3A_134 = arith.constant 0 : i32
      %dma_wait3A_135 = arith.constant 0 : i32
      %dma_wait3A_136 = tpu.memref_slice %arg9[%dma_wait3A_133, %dma_wait3A_134, %dma_wait3A_135] : memref<2x125x64xf32, #tpu.memory_space<vmem>> -> memref<1x125x64xf32, #tpu.memory_space<vmem>>
      %dma_wait3A_137 = tpu.memref_squeeze %dma_wait3A_136 : memref<1x125x64xf32, #tpu.memory_space<vmem>> -> memref<125x64xf32, #tpu.memory_space<vmem>>
      %dma_wait3A_138 = arith.constant 0 : i32
      %dma_wait3A_139 = tpu.memref_slice %arg7[%add3A_132, %dma_wait3A_138] : memref<160x125xi32, #tpu.memory_space<vmem>> -> memref<1x125xi32, #tpu.memory_space<vmem>>
      %dma_wait3A_140 = tpu.memref_squeeze %dma_wait3A_139 : memref<1x125xi32, #tpu.memory_space<vmem>> -> memref<125xi32, #tpu.memory_space<vmem>>
      %dma_wait3A_141 = arith.constant 0 : i32
      %dma_wait3A_142 = arith.constant 0 : i32
      %dma_wait3A_143 = tpu.memref_slice %arg2[%dma_wait3A_141, %dma_wait3A_142] : memref<20000x64xf32, #tpu.memory_space<hbm>> -> memref<20000x64xf32, #tpu.memory_space<hbm>>
      tpu.wait_indirect_dma semaphore(%arg15 : memref<!tpu.dma_semaphore, #tpu.memory_space<semaphore_mem>>) src(%dma_wait3A_143 : memref<20000x64xf32, #tpu.memory_space<hbm>>) dst(%dma_wait3A_137 : memref<125x64xf32, #tpu.memory_space<vmem>>)
      %dma_start3A_144 = arith.constant 0 : i32
      %dma_start3A_145 = arith.constant 0 : i32
      %dma_start3A_146 = arith.constant 0 : i32
      %dma_start3A_147 = tpu.memref_slice %arg9[%dma_start3A_144, %dma_start3A_145, %dma_start3A_146] : memref<2x125x64xf32, #tpu.memory_space<vmem>> -> memref<1x125x64xf32, #tpu.memory_space<vmem>>
      %dma_start3A_148 = tpu.memref_squeeze %dma_start3A_147 : memref<1x125x64xf32, #tpu.memory_space<vmem>> -> memref<125x64xf32, #tpu.memory_space<vmem>>
      %dma_start3A_149 = arith.constant 0 : i32
      %dma_start3A_150 = tpu.memref_slice %arg8[%add3A_132, %dma_start3A_149] : memref<160x125xi32, #tpu.memory_space<vmem>> -> memref<1x125xi32, #tpu.memory_space<vmem>>
      %dma_start3A_151 = tpu.memref_squeeze %dma_start3A_150 : memref<1x125xi32, #tpu.memory_space<vmem>> -> memref<125xi32, #tpu.memory_space<vmem>>
      %dma_start3A_152 = arith.constant 0 : i32
      %dma_start3A_153 = arith.constant 0 : i32
      %dma_start3A_154 = tpu.memref_slice %arg13[%dma_start3A_152, %dma_start3A_153] : memref<10240x64xf32, #tpu.memory_space<vmem_shared>> -> memref<10240x64xf32, #tpu.memory_space<vmem_shared>>
      tpu.enqueue_indirect_dma source(%dma_start3A_148 : memref<125x64xf32, #tpu.memory_space<vmem>>) target(%dma_start3A_154 : memref<10240x64xf32, #tpu.memory_space<vmem_shared>>) offsets(%dma_start3A_151 : memref<125xi32, #tpu.memory_space<vmem>>) semaphore(%arg17 : memref<!tpu.dma_semaphore, #tpu.memory_space<semaphore_mem>>) {add = true}
      %ge3A = arith.cmpi sge, %add3A_132, %mul3A_0 : i32
      %lt3A = arith.cmpi slt, %add3A_132, %add3A_1 : i32
      %and3A = arith.andi %ge3A, %lt3A : i1
      %convert_element_type3A = arith.extui %and3A : i1 to i32
      %cond3A = arith.constant 0 : i32
      %cond3A_155 = arith.cmpi ne, %convert_element_type3A, %cond3A : i32
      scf.if %cond3A_155 {
        "tpu.region"() ({
          %run_scoped3A = tpu.sem_alloc : memref<!tpu.dma_semaphore, #tpu.memory_space<semaphore_mem>>
          %dma_start3A_201 = arith.constant 0 : i32
          %dma_start3A_202 = tpu.memref_slice %arg8[%add3A_132, %dma_start3A_201] : memref<160x125xi32, #tpu.memory_space<vmem>> -> memref<1x125xi32, #tpu.memory_space<vmem>>
          %dma_start3A_203 = tpu.memref_squeeze %dma_start3A_202 : memref<1x125xi32, #tpu.memory_space<vmem>> -> memref<125xi32, #tpu.memory_space<vmem>>
          %dma_start3A_204 = arith.constant 0 : i32
          %dma_start3A_205 = arith.constant 0 : i32
          %dma_start3A_206 = tpu.memref_slice %arg14[%dma_start3A_204, %dma_start3A_205] : memref<10240x16xf32, #tpu.memory_space<vmem_shared>> -> memref<10240x16xf32, #tpu.memory_space<vmem_shared>>
          tpu.enqueue_indirect_dma source(%arg11 : memref<125x16xf32, #tpu.memory_space<vmem>>) target(%dma_start3A_206 : memref<10240x16xf32, #tpu.memory_space<vmem_shared>>) offsets(%dma_start3A_203 : memref<125xi32, #tpu.memory_space<vmem>>) semaphore(%run_scoped3A : memref<!tpu.dma_semaphore, #tpu.memory_space<semaphore_mem>>) {add = true}
          %dma_wait3A_207 = arith.constant 0 : i32
          %dma_wait3A_208 = tpu.memref_slice %arg8[%add3A_132, %dma_wait3A_207] : memref<160x125xi32, #tpu.memory_space<vmem>> -> memref<1x125xi32, #tpu.memory_space<vmem>>
          %dma_wait3A_209 = tpu.memref_squeeze %dma_wait3A_208 : memref<1x125xi32, #tpu.memory_space<vmem>> -> memref<125xi32, #tpu.memory_space<vmem>>
          %dma_wait3A_210 = arith.constant 0 : i32
          %dma_wait3A_211 = arith.constant 0 : i32
          %dma_wait3A_212 = tpu.memref_slice %arg14[%dma_wait3A_210, %dma_wait3A_211] : memref<10240x16xf32, #tpu.memory_space<vmem_shared>> -> memref<10240x16xf32, #tpu.memory_space<vmem_shared>>
          tpu.wait_indirect_dma semaphore(%run_scoped3A : memref<!tpu.dma_semaphore, #tpu.memory_space<semaphore_mem>>) src(%arg11 : memref<125x16xf32, #tpu.memory_space<vmem>>) dst(%dma_wait3A_212 : memref<10240x16xf32, #tpu.memory_space<vmem_shared>>)
          tpu.yield
        }) : () -> ()
      } else {
      }
      %add3A_156 = arith.constant 2 : i32
      %add3A_157 = arith.addi %add3A_132, %add3A_156 : i32
      %lt3A_158 = arith.constant 160 : i32
      %lt3A_159 = arith.cmpi slt, %add3A_157, %lt3A_158 : i32
      %convert_element_type3A_160 = arith.extui %lt3A_159 : i1 to i32
      %cond3A_161 = arith.constant 0 : i32
      %cond3A_162 = arith.cmpi ne, %convert_element_type3A_160, %cond3A_161 : i32
      scf.if %cond3A_162 {
        %dma_wait3A_201 = arith.constant 0 : i32
        %dma_wait3A_202 = arith.constant 0 : i32
        %dma_wait3A_203 = arith.constant 0 : i32
        %dma_wait3A_204 = tpu.memref_slice %arg9[%dma_wait3A_201, %dma_wait3A_202, %dma_wait3A_203] : memref<2x125x64xf32, #tpu.memory_space<vmem>> -> memref<1x125x64xf32, #tpu.memory_space<vmem>>
        %dma_wait3A_205 = tpu.memref_squeeze %dma_wait3A_204 : memref<1x125x64xf32, #tpu.memory_space<vmem>> -> memref<125x64xf32, #tpu.memory_space<vmem>>
        %dma_wait3A_206 = arith.constant 0 : i32
        %dma_wait3A_207 = tpu.memref_slice %arg8[%add3A_132, %dma_wait3A_206] : memref<160x125xi32, #tpu.memory_space<vmem>> -> memref<1x125xi32, #tpu.memory_space<vmem>>
        %dma_wait3A_208 = tpu.memref_squeeze %dma_wait3A_207 : memref<1x125xi32, #tpu.memory_space<vmem>> -> memref<125xi32, #tpu.memory_space<vmem>>
        %dma_wait3A_209 = arith.constant 0 : i32
        %dma_wait3A_210 = arith.constant 0 : i32
        %dma_wait3A_211 = tpu.memref_slice %arg13[%dma_wait3A_209, %dma_wait3A_210] : memref<10240x64xf32, #tpu.memory_space<vmem_shared>> -> memref<10240x64xf32, #tpu.memory_space<vmem_shared>>
        tpu.wait_indirect_dma semaphore(%arg17 : memref<!tpu.dma_semaphore, #tpu.memory_space<semaphore_mem>>) src(%dma_wait3A_205 : memref<125x64xf32, #tpu.memory_space<vmem>>) dst(%dma_wait3A_211 : memref<10240x64xf32, #tpu.memory_space<vmem_shared>>)
        %add3A_212 = arith.constant 2 : i32
        %add3A_213 = arith.addi %add3A_132, %add3A_212 : i32
        %min3A = arith.constant 159 : i32
        %min3A_214 = arith.minsi %add3A_213, %min3A : i32
        %dma_start3A_215 = arith.constant 0 : i32
        %dma_start3A_216 = arith.constant 0 : i32
        %dma_start3A_217 = arith.constant 0 : i32
        %dma_start3A_218 = tpu.memref_slice %arg9[%dma_start3A_215, %dma_start3A_216, %dma_start3A_217] : memref<2x125x64xf32, #tpu.memory_space<vmem>> -> memref<1x125x64xf32, #tpu.memory_space<vmem>>
        %dma_start3A_219 = tpu.memref_squeeze %dma_start3A_218 : memref<1x125x64xf32, #tpu.memory_space<vmem>> -> memref<125x64xf32, #tpu.memory_space<vmem>>
        %dma_start3A_220 = arith.constant 0 : i32
        %dma_start3A_221 = tpu.memref_slice %arg7[%min3A_214, %dma_start3A_220] : memref<160x125xi32, #tpu.memory_space<vmem>> -> memref<1x125xi32, #tpu.memory_space<vmem>>
        %dma_start3A_222 = tpu.memref_squeeze %dma_start3A_221 : memref<1x125xi32, #tpu.memory_space<vmem>> -> memref<125xi32, #tpu.memory_space<vmem>>
        %dma_start3A_223 = arith.constant 0 : i32
        %dma_start3A_224 = arith.constant 0 : i32
        %dma_start3A_225 = tpu.memref_slice %arg2[%dma_start3A_223, %dma_start3A_224] : memref<20000x64xf32, #tpu.memory_space<hbm>> -> memref<20000x64xf32, #tpu.memory_space<hbm>>
        tpu.enqueue_indirect_dma source(%dma_start3A_225 : memref<20000x64xf32, #tpu.memory_space<hbm>>) target(%dma_start3A_219 : memref<125x64xf32, #tpu.memory_space<vmem>>) offsets(%dma_start3A_222 : memref<125xi32, #tpu.memory_space<vmem>>) semaphore(%arg15 : memref<!tpu.dma_semaphore, #tpu.memory_space<semaphore_mem>>)
      } else {
      }
      %add3A_163 = arith.constant 1 : i32
      %add3A_164 = arith.addi %mul3A_130, %add3A_163 : i32
      %dma_wait3A_165 = arith.constant 1 : i32
      %dma_wait3A_166 = arith.constant 0 : i32
      %dma_wait3A_167 = arith.constant 0 : i32
      %dma_wait3A_168 = tpu.memref_slice %arg9[%dma_wait3A_165, %dma_wait3A_166, %dma_wait3A_167] : memref<2x125x64xf32, #tpu.memory_space<vmem>> -> memref<1x125x64xf32, #tpu.memory_space<vmem>>
      %dma_wait3A_169 = tpu.memref_squeeze %dma_wait3A_168 : memref<1x125x64xf32, #tpu.memory_space<vmem>> -> memref<125x64xf32, #tpu.memory_space<vmem>>
      %dma_wait3A_170 = arith.constant 0 : i32
      %dma_wait3A_171 = tpu.memref_slice %arg7[%add3A_164, %dma_wait3A_170] : memref<160x125xi32, #tpu.memory_space<vmem>> -> memref<1x125xi32, #tpu.memory_space<vmem>>
      %dma_wait3A_172 = tpu.memref_squeeze %dma_wait3A_171 : memref<1x125xi32, #tpu.memory_space<vmem>> -> memref<125xi32, #tpu.memory_space<vmem>>
      %dma_wait3A_173 = arith.constant 0 : i32
      %dma_wait3A_174 = arith.constant 0 : i32
      %dma_wait3A_175 = tpu.memref_slice %arg2[%dma_wait3A_173, %dma_wait3A_174] : memref<20000x64xf32, #tpu.memory_space<hbm>> -> memref<20000x64xf32, #tpu.memory_space<hbm>>
      tpu.wait_indirect_dma semaphore(%arg16 : memref<!tpu.dma_semaphore, #tpu.memory_space<semaphore_mem>>) src(%dma_wait3A_175 : memref<20000x64xf32, #tpu.memory_space<hbm>>) dst(%dma_wait3A_169 : memref<125x64xf32, #tpu.memory_space<vmem>>)
      %dma_start3A_176 = arith.constant 1 : i32
      %dma_start3A_177 = arith.constant 0 : i32
      %dma_start3A_178 = arith.constant 0 : i32
      %dma_start3A_179 = tpu.memref_slice %arg9[%dma_start3A_176, %dma_start3A_177, %dma_start3A_178] : memref<2x125x64xf32, #tpu.memory_space<vmem>> -> memref<1x125x64xf32, #tpu.memory_space<vmem>>
      %dma_start3A_180 = tpu.memref_squeeze %dma_start3A_179 : memref<1x125x64xf32, #tpu.memory_space<vmem>> -> memref<125x64xf32, #tpu.memory_space<vmem>>
      %dma_start3A_181 = arith.constant 0 : i32
      %dma_start3A_182 = tpu.memref_slice %arg8[%add3A_164, %dma_start3A_181] : memref<160x125xi32, #tpu.memory_space<vmem>> -> memref<1x125xi32, #tpu.memory_space<vmem>>
      %dma_start3A_183 = tpu.memref_squeeze %dma_start3A_182 : memref<1x125xi32, #tpu.memory_space<vmem>> -> memref<125xi32, #tpu.memory_space<vmem>>
      %dma_start3A_184 = arith.constant 0 : i32
      %dma_start3A_185 = arith.constant 0 : i32
      %dma_start3A_186 = tpu.memref_slice %arg13[%dma_start3A_184, %dma_start3A_185] : memref<10240x64xf32, #tpu.memory_space<vmem_shared>> -> memref<10240x64xf32, #tpu.memory_space<vmem_shared>>
      tpu.enqueue_indirect_dma source(%dma_start3A_180 : memref<125x64xf32, #tpu.memory_space<vmem>>) target(%dma_start3A_186 : memref<10240x64xf32, #tpu.memory_space<vmem_shared>>) offsets(%dma_start3A_183 : memref<125xi32, #tpu.memory_space<vmem>>) semaphore(%arg18 : memref<!tpu.dma_semaphore, #tpu.memory_space<semaphore_mem>>) {add = true}
      %ge3A_187 = arith.cmpi sge, %add3A_164, %mul3A_0 : i32
      %lt3A_188 = arith.cmpi slt, %add3A_164, %add3A_1 : i32
      %and3A_189 = arith.andi %ge3A_187, %lt3A_188 : i1
      %convert_element_type3A_190 = arith.extui %and3A_189 : i1 to i32
      %cond3A_191 = arith.constant 0 : i32
      %cond3A_192 = arith.cmpi ne, %convert_element_type3A_190, %cond3A_191 : i32
      scf.if %cond3A_192 {
        "tpu.region"() ({
          %run_scoped3A = tpu.sem_alloc : memref<!tpu.dma_semaphore, #tpu.memory_space<semaphore_mem>>
          %dma_start3A_201 = arith.constant 0 : i32
          %dma_start3A_202 = tpu.memref_slice %arg8[%add3A_164, %dma_start3A_201] : memref<160x125xi32, #tpu.memory_space<vmem>> -> memref<1x125xi32, #tpu.memory_space<vmem>>
          %dma_start3A_203 = tpu.memref_squeeze %dma_start3A_202 : memref<1x125xi32, #tpu.memory_space<vmem>> -> memref<125xi32, #tpu.memory_space<vmem>>
          %dma_start3A_204 = arith.constant 0 : i32
          %dma_start3A_205 = arith.constant 0 : i32
          %dma_start3A_206 = tpu.memref_slice %arg14[%dma_start3A_204, %dma_start3A_205] : memref<10240x16xf32, #tpu.memory_space<vmem_shared>> -> memref<10240x16xf32, #tpu.memory_space<vmem_shared>>
          tpu.enqueue_indirect_dma source(%arg11 : memref<125x16xf32, #tpu.memory_space<vmem>>) target(%dma_start3A_206 : memref<10240x16xf32, #tpu.memory_space<vmem_shared>>) offsets(%dma_start3A_203 : memref<125xi32, #tpu.memory_space<vmem>>) semaphore(%run_scoped3A : memref<!tpu.dma_semaphore, #tpu.memory_space<semaphore_mem>>) {add = true}
          %dma_wait3A_207 = arith.constant 0 : i32
          %dma_wait3A_208 = tpu.memref_slice %arg8[%add3A_164, %dma_wait3A_207] : memref<160x125xi32, #tpu.memory_space<vmem>> -> memref<1x125xi32, #tpu.memory_space<vmem>>
          %dma_wait3A_209 = tpu.memref_squeeze %dma_wait3A_208 : memref<1x125xi32, #tpu.memory_space<vmem>> -> memref<125xi32, #tpu.memory_space<vmem>>
          %dma_wait3A_210 = arith.constant 0 : i32
          %dma_wait3A_211 = arith.constant 0 : i32
          %dma_wait3A_212 = tpu.memref_slice %arg14[%dma_wait3A_210, %dma_wait3A_211] : memref<10240x16xf32, #tpu.memory_space<vmem_shared>> -> memref<10240x16xf32, #tpu.memory_space<vmem_shared>>
          tpu.wait_indirect_dma semaphore(%run_scoped3A : memref<!tpu.dma_semaphore, #tpu.memory_space<semaphore_mem>>) src(%arg11 : memref<125x16xf32, #tpu.memory_space<vmem>>) dst(%dma_wait3A_212 : memref<10240x16xf32, #tpu.memory_space<vmem_shared>>)
          tpu.yield
        }) : () -> ()
      } else {
      }
      %add3A_193 = arith.constant 2 : i32
      %add3A_194 = arith.addi %add3A_164, %add3A_193 : i32
      %lt3A_195 = arith.constant 160 : i32
      %lt3A_196 = arith.cmpi slt, %add3A_194, %lt3A_195 : i32
      %convert_element_type3A_197 = arith.extui %lt3A_196 : i1 to i32
      %cond3A_198 = arith.constant 0 : i32
      %cond3A_199 = arith.cmpi ne, %convert_element_type3A_197, %cond3A_198 : i32
      scf.if %cond3A_199 {
        %dma_wait3A_201 = arith.constant 1 : i32
        %dma_wait3A_202 = arith.constant 0 : i32
        %dma_wait3A_203 = arith.constant 0 : i32
        %dma_wait3A_204 = tpu.memref_slice %arg9[%dma_wait3A_201, %dma_wait3A_202, %dma_wait3A_203] : memref<2x125x64xf32, #tpu.memory_space<vmem>> -> memref<1x125x64xf32, #tpu.memory_space<vmem>>
        %dma_wait3A_205 = tpu.memref_squeeze %dma_wait3A_204 : memref<1x125x64xf32, #tpu.memory_space<vmem>> -> memref<125x64xf32, #tpu.memory_space<vmem>>
        %dma_wait3A_206 = arith.constant 0 : i32
        %dma_wait3A_207 = tpu.memref_slice %arg8[%add3A_164, %dma_wait3A_206] : memref<160x125xi32, #tpu.memory_space<vmem>> -> memref<1x125xi32, #tpu.memory_space<vmem>>
        %dma_wait3A_208 = tpu.memref_squeeze %dma_wait3A_207 : memref<1x125xi32, #tpu.memory_space<vmem>> -> memref<125xi32, #tpu.memory_space<vmem>>
        %dma_wait3A_209 = arith.constant 0 : i32
        %dma_wait3A_210 = arith.constant 0 : i32
        %dma_wait3A_211 = tpu.memref_slice %arg13[%dma_wait3A_209, %dma_wait3A_210] : memref<10240x64xf32, #tpu.memory_space<vmem_shared>> -> memref<10240x64xf32, #tpu.memory_space<vmem_shared>>
        tpu.wait_indirect_dma semaphore(%arg18 : memref<!tpu.dma_semaphore, #tpu.memory_space<semaphore_mem>>) src(%dma_wait3A_205 : memref<125x64xf32, #tpu.memory_space<vmem>>) dst(%dma_wait3A_211 : memref<10240x64xf32, #tpu.memory_space<vmem_shared>>)
        %add3A_212 = arith.constant 2 : i32
        %add3A_213 = arith.addi %add3A_164, %add3A_212 : i32
        %min3A = arith.constant 159 : i32
        %min3A_214 = arith.minsi %add3A_213, %min3A : i32
        %dma_start3A_215 = arith.constant 1 : i32
        %dma_start3A_216 = arith.constant 0 : i32
        %dma_start3A_217 = arith.constant 0 : i32
        %dma_start3A_218 = tpu.memref_slice %arg9[%dma_start3A_215, %dma_start3A_216, %dma_start3A_217] : memref<2x125x64xf32, #tpu.memory_space<vmem>> -> memref<1x125x64xf32, #tpu.memory_space<vmem>>
        %dma_start3A_219 = tpu.memref_squeeze %dma_start3A_218 : memref<1x125x64xf32, #tpu.memory_space<vmem>> -> memref<125x64xf32, #tpu.memory_space<vmem>>
        %dma_start3A_220 = arith.constant 0 : i32
        %dma_start3A_221 = tpu.memref_slice %arg7[%min3A_214, %dma_start3A_220] : memref<160x125xi32, #tpu.memory_space<vmem>> -> memref<1x125xi32, #tpu.memory_space<vmem>>
        %dma_start3A_222 = tpu.memref_squeeze %dma_start3A_221 : memref<1x125xi32, #tpu.memory_space<vmem>> -> memref<125xi32, #tpu.memory_space<vmem>>
        %dma_start3A_223 = arith.constant 0 : i32
        %dma_start3A_224 = arith.constant 0 : i32
        %dma_start3A_225 = tpu.memref_slice %arg2[%dma_start3A_223, %dma_start3A_224] : memref<20000x64xf32, #tpu.memory_space<hbm>> -> memref<20000x64xf32, #tpu.memory_space<hbm>>
        tpu.enqueue_indirect_dma source(%dma_start3A_225 : memref<20000x64xf32, #tpu.memory_space<hbm>>) target(%dma_start3A_219 : memref<125x64xf32, #tpu.memory_space<vmem>>) offsets(%dma_start3A_222 : memref<125xi32, #tpu.memory_space<vmem>>) semaphore(%arg16 : memref<!tpu.dma_semaphore, #tpu.memory_space<semaphore_mem>>)
      } else {
      }
      %scan3A_200 = arith.constant 0 : i32
      scf.yield %scan3A_200 : i32
    }
    %scan3A_94 = arith.constant 80 : i32
    %dma_wait3A = arith.constant 0 : i32
    %dma_wait3A_95 = arith.constant 158 : i32
    %dma_wait3A_96 = arith.constant 0 : i32
    %dma_wait3A_97 = arith.constant 0 : i32
    %dma_wait3A_98 = tpu.memref_slice %arg9[%dma_wait3A, %dma_wait3A_96, %dma_wait3A_97] : memref<2x125x64xf32, #tpu.memory_space<vmem>> -> memref<1x125x64xf32, #tpu.memory_space<vmem>>
    %dma_wait3A_99 = tpu.memref_squeeze %dma_wait3A_98 : memref<1x125x64xf32, #tpu.memory_space<vmem>> -> memref<125x64xf32, #tpu.memory_space<vmem>>
    %dma_wait3A_100 = arith.constant 0 : i32
    %dma_wait3A_101 = tpu.memref_slice %arg8[%dma_wait3A_95, %dma_wait3A_100] : memref<160x125xi32, #tpu.memory_space<vmem>> -> memref<1x125xi32, #tpu.memory_space<vmem>>
    %dma_wait3A_102 = tpu.memref_squeeze %dma_wait3A_101 : memref<1x125xi32, #tpu.memory_space<vmem>> -> memref<125xi32, #tpu.memory_space<vmem>>
    %dma_wait3A_103 = arith.constant 0 : i32
    %dma_wait3A_104 = arith.constant 0 : i32
    %dma_wait3A_105 = tpu.memref_slice %arg13[%dma_wait3A_103, %dma_wait3A_104] : memref<10240x64xf32, #tpu.memory_space<vmem_shared>> -> memref<10240x64xf32, #tpu.memory_space<vmem_shared>>
    tpu.wait_indirect_dma semaphore(%arg17 : memref<!tpu.dma_semaphore, #tpu.memory_space<semaphore_mem>>) src(%dma_wait3A_99 : memref<125x64xf32, #tpu.memory_space<vmem>>) dst(%dma_wait3A_105 : memref<10240x64xf32, #tpu.memory_space<vmem_shared>>)
    %dma_wait3A_106 = arith.constant 1 : i32
    %dma_wait3A_107 = arith.constant 159 : i32
    %dma_wait3A_108 = arith.constant 0 : i32
    %dma_wait3A_109 = arith.constant 0 : i32
    %dma_wait3A_110 = tpu.memref_slice %arg9[%dma_wait3A_106, %dma_wait3A_108, %dma_wait3A_109] : memref<2x125x64xf32, #tpu.memory_space<vmem>> -> memref<1x125x64xf32, #tpu.memory_space<vmem>>
    %dma_wait3A_111 = tpu.memref_squeeze %dma_wait3A_110 : memref<1x125x64xf32, #tpu.memory_space<vmem>> -> memref<125x64xf32, #tpu.memory_space<vmem>>
    %dma_wait3A_112 = arith.constant 0 : i32
    %dma_wait3A_113 = tpu.memref_slice %arg8[%dma_wait3A_107, %dma_wait3A_112] : memref<160x125xi32, #tpu.memory_space<vmem>> -> memref<1x125xi32, #tpu.memory_space<vmem>>
    %dma_wait3A_114 = tpu.memref_squeeze %dma_wait3A_113 : memref<1x125xi32, #tpu.memory_space<vmem>> -> memref<125xi32, #tpu.memory_space<vmem>>
    %dma_wait3A_115 = arith.constant 0 : i32
    %dma_wait3A_116 = arith.constant 0 : i32
    %dma_wait3A_117 = tpu.memref_slice %arg13[%dma_wait3A_115, %dma_wait3A_116] : memref<10240x64xf32, #tpu.memory_space<vmem_shared>> -> memref<10240x64xf32, #tpu.memory_space<vmem_shared>>
    tpu.wait_indirect_dma semaphore(%arg18 : memref<!tpu.dma_semaphore, #tpu.memory_space<semaphore_mem>>) src(%dma_wait3A_111 : memref<125x64xf32, #tpu.memory_space<vmem>>) dst(%dma_wait3A_117 : memref<10240x64xf32, #tpu.memory_space<vmem_shared>>)
    %barrier3A_118 = arith.constant 0 : index
    tpu.barrier barrier_id(%barrier3A_118)
    %mul3A_119 = arith.constant 640 : i32
    %mul3A_120 = arith.muli %arg1, %mul3A_119 : i32
    %mul3A_121 = arith.constant 640 : i32
    %mul3A_122 = arith.muli %arg1, %mul3A_121 : i32
    "tpu.region"() ({
      %run_scoped3A = tpu.sem_alloc : memref<!tpu.dma_semaphore, #tpu.memory_space<semaphore_mem>>
      %dma_start3A_127 = arith.constant 0 : i32
      %dma_start3A_128 = tpu.memref_slice %arg5[%arg0, %mul3A_122, %dma_start3A_127] : memref<2x10240x64xf32, #tpu.memory_space<hbm>> -> memref<1x640x64xf32, #tpu.memory_space<hbm>>
      %dma_start3A_129 = tpu.memref_squeeze %dma_start3A_128 : memref<1x640x64xf32, #tpu.memory_space<hbm>> -> memref<640x64xf32, #tpu.memory_space<hbm>>
      %dma_start3A_130 = arith.constant 0 : i32
      %dma_start3A_131 = tpu.memref_slice %arg13[%mul3A_120, %dma_start3A_130] : memref<10240x64xf32, #tpu.memory_space<vmem_shared>> -> memref<640x64xf32, #tpu.memory_space<vmem_shared>>
      tpu.enqueue_dma source(%dma_start3A_131 : memref<640x64xf32, #tpu.memory_space<vmem_shared>>) target(%dma_start3A_129 : memref<640x64xf32, #tpu.memory_space<hbm>>) target_semaphore(%run_scoped3A : memref<!tpu.dma_semaphore, #tpu.memory_space<semaphore_mem>>)
      %dma_wait3A_132 = arith.constant 0 : i32
      %dma_wait3A_133 = tpu.memref_slice %arg5[%arg0, %mul3A_122, %dma_wait3A_132] : memref<2x10240x64xf32, #tpu.memory_space<hbm>> -> memref<1x640x64xf32, #tpu.memory_space<hbm>>
      %dma_wait3A_134 = tpu.memref_squeeze %dma_wait3A_133 : memref<1x640x64xf32, #tpu.memory_space<hbm>> -> memref<640x64xf32, #tpu.memory_space<hbm>>
      %dma_wait3A_135 = arith.constant 0 : i32
      %dma_wait3A_136 = tpu.memref_slice %arg13[%mul3A_120, %dma_wait3A_135] : memref<10240x64xf32, #tpu.memory_space<vmem_shared>> -> memref<640x64xf32, #tpu.memory_space<vmem_shared>>
      tpu.wait_dma2 semaphore(%run_scoped3A : memref<!tpu.dma_semaphore, #tpu.memory_space<semaphore_mem>>) src(%dma_wait3A_136 : memref<640x64xf32, #tpu.memory_space<vmem_shared>>) dst(%dma_wait3A_134 : memref<640x64xf32, #tpu.memory_space<hbm>>)
      tpu.yield
    }) : () -> ()
    %mul3A_123 = arith.constant 640 : i32
    %mul3A_124 = arith.muli %arg1, %mul3A_123 : i32
    %mul3A_125 = arith.constant 640 : i32
    %mul3A_126 = arith.muli %arg1, %mul3A_125 : i32
    "tpu.region"() ({
      %run_scoped3A = tpu.sem_alloc : memref<!tpu.dma_semaphore, #tpu.memory_space<semaphore_mem>>
      %dma_start3A_127 = arith.constant 0 : i32
      %dma_start3A_128 = tpu.memref_slice %arg6[%arg0, %mul3A_126, %dma_start3A_127] : memref<2x10240x16xf32, #tpu.memory_space<hbm>> -> memref<1x640x16xf32, #tpu.memory_space<hbm>>
      %dma_start3A_129 = tpu.memref_squeeze %dma_start3A_128 : memref<1x640x16xf32, #tpu.memory_space<hbm>> -> memref<640x16xf32, #tpu.memory_space<hbm>>
      %dma_start3A_130 = arith.constant 0 : i32
      %dma_start3A_131 = tpu.memref_slice %arg14[%mul3A_124, %dma_start3A_130] : memref<10240x16xf32, #tpu.memory_space<vmem_shared>> -> memref<640x16xf32, #tpu.memory_space<vmem_shared>>
      tpu.enqueue_dma source(%dma_start3A_131 : memref<640x16xf32, #tpu.memory_space<vmem_shared>>) target(%dma_start3A_129 : memref<640x16xf32, #tpu.memory_space<hbm>>) target_semaphore(%run_scoped3A : memref<!tpu.dma_semaphore, #tpu.memory_space<semaphore_mem>>)
      %dma_wait3A_132 = arith.constant 0 : i32
      %dma_wait3A_133 = tpu.memref_slice %arg6[%arg0, %mul3A_126, %dma_wait3A_132] : memref<2x10240x16xf32, #tpu.memory_space<hbm>> -> memref<1x640x16xf32, #tpu.memory_space<hbm>>
      %dma_wait3A_134 = tpu.memref_squeeze %dma_wait3A_133 : memref<1x640x16xf32, #tpu.memory_space<hbm>> -> memref<640x16xf32, #tpu.memory_space<hbm>>
      %dma_wait3A_135 = arith.constant 0 : i32
      %dma_wait3A_136 = tpu.memref_slice %arg14[%mul3A_124, %dma_wait3A_135] : memref<10240x16xf32, #tpu.memory_space<vmem_shared>> -> memref<640x16xf32, #tpu.memory_space<vmem_shared>>
      tpu.wait_dma2 semaphore(%run_scoped3A : memref<!tpu.dma_semaphore, #tpu.memory_space<semaphore_mem>>) src(%dma_wait3A_136 : memref<640x16xf32, #tpu.memory_space<vmem_shared>>) dst(%dma_wait3A_134 : memref<640x16xf32, #tpu.memory_space<hbm>>)
      tpu.yield
    }) : () -> ()
    return
  }
}

module attributes {stable_mosaic.version = 14 : i64} {
  func.func @body(%arg0: i32, %arg1: memref<2000x128xf32, #tpu.memory_space<vmem>>, %arg2: memref<128x128xf32, #tpu.memory_space<vmem>>, %arg3: memref<1x128xf32, #tpu.memory_space<vmem>>, %arg4: memref<2000x128xf32, #tpu.memory_space<vmem>>) attributes {dimension_semantics = [#tpu.dimension_semantics<arbitrary>], iteration_bounds = array<i64: 5>, scalar_prefetch = 0 : i64, scratch_operands = 0 : i64, tpu.core_type = #tpu.core_type<tc>, window_params = [{transform_indices = @transform_0, window_bounds = array<i64: 2000, 128>}, {pipeline_mode = #tpu.pipeline_mode<synchronous>, transform_indices = @transform_1, window_bounds = array<i64: 128, 128>}, {pipeline_mode = #tpu.pipeline_mode<synchronous>, transform_indices = @transform_2, window_bounds = array<i64: 1, 128>}, {transform_indices = @transform_3, window_bounds = array<i64: 2000, 128>}]} {
    %get3A = arith.constant 0 : index
    %get3A_0 = arith.constant 0 : index
    %get3A_1 = vector.load %arg1[%get3A, %get3A_0] : memref<2000x128xf32, #tpu.memory_space<vmem>>, vector<2000x128xf32>
    %get3A_2 = arith.constant 0 : index
    %get3A_3 = arith.constant 0 : index
    %get3A_4 = vector.load %arg2[%get3A_2, %get3A_3] : memref<128x128xf32, #tpu.memory_space<vmem>>, vector<128x128xf32>
    %dot_general3A = arith.constant dense<0.000000e+00> : vector<2000x128xf32>
    %dot_general3A_5 = tpu.matmul %get3A_1, %get3A_4, %dot_general3A {dimension_numbers = #tpu.dot_dimension_numbers<[1], [0], [0], [1], [0, 0, 1, 1], [], []>, precision = #tpu.contract_precision<fp32>, transpose_lhs_hint = false} : vector<2000x128xf32>, vector<128x128xf32>, vector<2000x128xf32> -> vector<2000x128xf32>
    %get3A_6 = arith.constant 0 : index
    %get3A_7 = arith.constant 0 : index
    %get3A_8 = vector.load %arg3[%get3A_6, %get3A_7] : memref<1x128xf32, #tpu.memory_space<vmem>>, vector<1x128xf32>
    %add3A = vector.broadcast %get3A_8 : vector<1x128xf32> to vector<2000x128xf32>
    %add3A_9 = arith.addf %dot_general3A_5, %add3A : vector<2000x128xf32>
    %swap3A = arith.constant 0 : index
    %swap3A_10 = arith.constant 0 : index
    %swap3A_11 = vector.load %arg4[%swap3A, %swap3A_10] : memref<2000x128xf32, #tpu.memory_space<vmem>>, vector<2000x128xf32>
    tpu.vector_store %arg4[%swap3A, %swap3A_10], %add3A_9 {strides = array<i32>} : memref<2000x128xf32, #tpu.memory_space<vmem>>, vector<2000x128xf32>,
    return
  }
  func.func @transform_0(%arg0: i32) -> (i32, i32) {
    %c0_i32 = arith.constant 0 : i32
    %c0_i32_0 = arith.constant 0 : i32
    return %arg0, %c0_i32 : i32, i32
  }
  func.func @transform_1(%arg0: i32) -> (i32, i32) {
    %c0_i32 = arith.constant 0 : i32
    %c0_i32_0 = arith.constant 0 : i32
    %c0_i32_1 = arith.constant 0 : i32
    return %c0_i32, %c0_i32_0 : i32, i32
  }
  func.func @transform_2(%arg0: i32) -> (i32, i32) {
    %c0_i32 = arith.constant 0 : i32
    %c0_i32_0 = arith.constant 0 : i32
    %c0_i32_1 = arith.constant 0 : i32
    return %c0_i32, %c0_i32_0 : i32, i32
  }
  func.func @transform_3(%arg0: i32) -> (i32, i32) {
    %c0_i32 = arith.constant 0 : i32
    %c0_i32_0 = arith.constant 0 : i32
    return %arg0, %c0_i32 : i32, i32
  }
}

module attributes {stable_mosaic.version = 14 : i64} {
  func.func @body(%arg0: i32, %arg1: memref<2000x128xf32, #tpu.memory_space<vmem>>, %arg2: memref<2x2000x64xf32, #tpu.memory_space<vmem>>, %arg3: memref<2x2000x16xf32, #tpu.memory_space<vmem>>, %arg4: memref<128x128xf32, #tpu.memory_space<vmem>>, %arg5: memref<2000x128xf32, #tpu.memory_space<vmem>>) attributes {dimension_semantics = [#tpu.dimension_semantics<arbitrary>], iteration_bounds = array<i64: 5>, scalar_prefetch = 0 : i64, scratch_operands = 0 : i64, tpu.core_type = #tpu.core_type<tc>, window_params = [{transform_indices = @transform_0, window_bounds = array<i64: 2000, 128>}, {transform_indices = @transform_1, window_bounds = array<i64: 2, 2000, 64>}, {transform_indices = @transform_2, window_bounds = array<i64: 2, 2000, 16>}, {pipeline_mode = #tpu.pipeline_mode<synchronous>, transform_indices = @transform_3, window_bounds = array<i64: 128, 128>}, {transform_indices = @transform_4, window_bounds = array<i64: 2000, 128>}]} {
    %get3A = arith.constant 0 : index
    %get3A_0 = arith.constant 0 : index
    %get3A_1 = arith.constant 0 : index
    %get3A_2 = vector.load %arg2[%get3A, %get3A_0, %get3A_1] : memref<2x2000x64xf32, #tpu.memory_space<vmem>>, vector<2x2000x64xf32>
    %slice3A = vector.extract_strided_slice %get3A_2 {offsets = [0, 0, 0], sizes = [1, 2000, 64], strides = [1, 1, 1]} : vector<2x2000x64xf32> to vector<1x2000x64xf32>
    %squeeze3A = vector.shape_cast %slice3A : vector<1x2000x64xf32> to vector<2000x64xf32>
    %slice3A_3 = vector.extract_strided_slice %get3A_2 {offsets = [1, 0, 0], sizes = [1, 2000, 64], strides = [1, 1, 1]} : vector<2x2000x64xf32> to vector<1x2000x64xf32>
    %squeeze3A_4 = vector.shape_cast %slice3A_3 : vector<1x2000x64xf32> to vector<2000x64xf32>
    %concatenate3A = tpu.concatenate %squeeze3A, %squeeze3A_4 in 1 : vector<2000x64xf32>, vector<2000x64xf32> -> vector<2000x128xf32>
    %get3A_5 = arith.constant 0 : index
    %get3A_6 = arith.constant 0 : index
    %get3A_7 = arith.constant 0 : index
    %get3A_8 = vector.load %arg3[%get3A_5, %get3A_6, %get3A_7] : memref<2x2000x16xf32, #tpu.memory_space<vmem>>, vector<1x2000x1xf32>
    %get3A_9 = vector.shape_cast %get3A_8 : vector<1x2000x1xf32> to vector<2000x1xf32>
    %get3A_10 = arith.constant 1 : index
    %get3A_11 = arith.constant 0 : index
    %get3A_12 = arith.constant 0 : index
    %get3A_13 = vector.load %arg3[%get3A_10, %get3A_11, %get3A_12] : memref<2x2000x16xf32, #tpu.memory_space<vmem>>, vector<1x2000x1xf32>
    %get3A_14 = vector.shape_cast %get3A_13 : vector<1x2000x1xf32> to vector<2000x1xf32>
    %add3A = arith.addf %get3A_9, %get3A_14 : vector<2000x1xf32>
    %max3A = arith.constant 1.000000e+00 : f32
    %max3A_15 = vector.broadcast %max3A : f32 to vector<2000x1xf32>
    %max3A_16 = arith.maximumf %add3A, %max3A_15 : vector<2000x1xf32>
    %div3A = arith.constant 1.000000e+00 : f32
    %div3A_17 = vector.broadcast %div3A : f32 to vector<2000x1xf32>
    %div3A_18 = arith.divf %div3A_17, %max3A_16 : vector<2000x1xf32>
    %mul3A = vector.broadcast %div3A_18 : vector<2000x1xf32> to vector<2000x128xf32>
    %mul3A_19 = arith.mulf %concatenate3A, %mul3A : vector<2000x128xf32>
    %get3A_20 = arith.constant 0 : index
    %get3A_21 = arith.constant 0 : index
    %get3A_22 = vector.load %arg1[%get3A_20, %get3A_21] : memref<2000x128xf32, #tpu.memory_space<vmem>>, vector<2000x128xf32>
    %get3A_23 = arith.constant 0 : index
    %get3A_24 = arith.constant 0 : index
    %get3A_25 = vector.load %arg4[%get3A_23, %get3A_24] : memref<128x128xf32, #tpu.memory_space<vmem>>, vector<128x128xf32>
    %dot_general3A = arith.constant dense<0.000000e+00> : vector<2000x128xf32>
    %dot_general3A_26 = tpu.matmul %mul3A_19, %get3A_25, %dot_general3A {dimension_numbers = #tpu.dot_dimension_numbers<[1], [0], [0], [1], [0, 0, 1, 1], [], []>, precision = #tpu.contract_precision<fp32>, transpose_lhs_hint = false} : vector<2000x128xf32>, vector<128x128xf32>, vector<2000x128xf32> -> vector<2000x128xf32>
    %add3A_27 = arith.addf %get3A_22, %dot_general3A_26 : vector<2000x128xf32>
    %max3A_28 = arith.constant 0.000000e+00 : f32
    %max3A_29 = vector.broadcast %max3A_28 : f32 to vector<2000x128xf32>
    %max3A_30 = arith.maximumf %add3A_27, %max3A_29 : vector<2000x128xf32>
    %swap3A = arith.constant 0 : index
    %swap3A_31 = arith.constant 0 : index
    %swap3A_32 = vector.load %arg5[%swap3A, %swap3A_31] : memref<2000x128xf32, #tpu.memory_space<vmem>>, vector<2000x128xf32>
    tpu.vector_store %arg5[%swap3A, %swap3A_31], %max3A_30 {strides = array<i32>} : memref<2000x128xf32, #tpu.memory_space<vmem>>, vector<2000x128xf32>,
    return
  }
  func.func @transform_0(%arg0: i32) -> (i32, i32) {
    %c0_i32 = arith.constant 0 : i32
    %c0_i32_0 = arith.constant 0 : i32
    return %arg0, %c0_i32 : i32, i32
  }
  func.func @transform_1(%arg0: i32) -> (i32, i32, i32) {
    %c0_i32 = arith.constant 0 : i32
    %c0_i32_0 = arith.constant 0 : i32
    %c0_i32_1 = arith.constant 0 : i32
    return %c0_i32, %arg0, %c0_i32_0 : i32, i32, i32
  }
  func.func @transform_2(%arg0: i32) -> (i32, i32, i32) {
    %c0_i32 = arith.constant 0 : i32
    %c0_i32_0 = arith.constant 0 : i32
    %c0_i32_1 = arith.constant 0 : i32
    return %c0_i32, %arg0, %c0_i32_0 : i32, i32, i32
  }
  func.func @transform_3(%arg0: i32) -> (i32, i32) {
    %c0_i32 = arith.constant 0 : i32
    %c0_i32_0 = arith.constant 0 : i32
    %c0_i32_1 = arith.constant 0 : i32
    return %c0_i32, %c0_i32_0 : i32, i32
  }
  func.func @transform_4(%arg0: i32) -> (i32, i32) {
    %c0_i32 = arith.constant 0 : i32
    %c0_i32_0 = arith.constant 0 : i32
    return %arg0, %c0_i32 : i32, i32
  }
}

module attributes {stable_mosaic.version = 14 : i64} {
  func.func @body(%arg0: i32, %arg1: memref<2000x128xf32, #tpu.memory_space<vmem>>, %arg2: memref<2x2000x64xf32, #tpu.memory_space<vmem>>, %arg3: memref<2x2000x16xf32, #tpu.memory_space<vmem>>, %arg4: memref<128x128xf32, #tpu.memory_space<vmem>>, %arg5: memref<2000x128xf32, #tpu.memory_space<vmem>>) attributes {dimension_semantics = [#tpu.dimension_semantics<arbitrary>], iteration_bounds = array<i64: 5>, scalar_prefetch = 0 : i64, scratch_operands = 0 : i64, tpu.core_type = #tpu.core_type<tc>, window_params = [{transform_indices = @transform_0, window_bounds = array<i64: 2000, 128>}, {transform_indices = @transform_1, window_bounds = array<i64: 2, 2000, 64>}, {transform_indices = @transform_2, window_bounds = array<i64: 2, 2000, 16>}, {pipeline_mode = #tpu.pipeline_mode<synchronous>, transform_indices = @transform_3, window_bounds = array<i64: 128, 128>}, {transform_indices = @transform_4, window_bounds = array<i64: 2000, 128>}]} {
    %get3A = arith.constant 0 : index
    %get3A_0 = arith.constant 0 : index
    %get3A_1 = arith.constant 0 : index
    %get3A_2 = vector.load %arg2[%get3A, %get3A_0, %get3A_1] : memref<2x2000x64xf32, #tpu.memory_space<vmem>>, vector<2x2000x64xf32>
    %slice3A = vector.extract_strided_slice %get3A_2 {offsets = [0, 0, 0], sizes = [1, 2000, 64], strides = [1, 1, 1]} : vector<2x2000x64xf32> to vector<1x2000x64xf32>
    %squeeze3A = vector.shape_cast %slice3A : vector<1x2000x64xf32> to vector<2000x64xf32>
    %slice3A_3 = vector.extract_strided_slice %get3A_2 {offsets = [1, 0, 0], sizes = [1, 2000, 64], strides = [1, 1, 1]} : vector<2x2000x64xf32> to vector<1x2000x64xf32>
    %squeeze3A_4 = vector.shape_cast %slice3A_3 : vector<1x2000x64xf32> to vector<2000x64xf32>
    %concatenate3A = tpu.concatenate %squeeze3A, %squeeze3A_4 in 1 : vector<2000x64xf32>, vector<2000x64xf32> -> vector<2000x128xf32>
    %get3A_5 = arith.constant 0 : index
    %get3A_6 = arith.constant 0 : index
    %get3A_7 = arith.constant 0 : index
    %get3A_8 = vector.load %arg3[%get3A_5, %get3A_6, %get3A_7] : memref<2x2000x16xf32, #tpu.memory_space<vmem>>, vector<1x2000x1xf32>
    %get3A_9 = vector.shape_cast %get3A_8 : vector<1x2000x1xf32> to vector<2000x1xf32>
    %get3A_10 = arith.constant 1 : index
    %get3A_11 = arith.constant 0 : index
    %get3A_12 = arith.constant 0 : index
    %get3A_13 = vector.load %arg3[%get3A_10, %get3A_11, %get3A_12] : memref<2x2000x16xf32, #tpu.memory_space<vmem>>, vector<1x2000x1xf32>
    %get3A_14 = vector.shape_cast %get3A_13 : vector<1x2000x1xf32> to vector<2000x1xf32>
    %add3A = arith.addf %get3A_9, %get3A_14 : vector<2000x1xf32>
    %max3A = arith.constant 1.000000e+00 : f32
    %max3A_15 = vector.broadcast %max3A : f32 to vector<2000x1xf32>
    %max3A_16 = arith.maximumf %add3A, %max3A_15 : vector<2000x1xf32>
    %div3A = arith.constant 1.000000e+00 : f32
    %div3A_17 = vector.broadcast %div3A : f32 to vector<2000x1xf32>
    %div3A_18 = arith.divf %div3A_17, %max3A_16 : vector<2000x1xf32>
    %mul3A = vector.broadcast %div3A_18 : vector<2000x1xf32> to vector<2000x128xf32>
    %mul3A_19 = arith.mulf %concatenate3A, %mul3A : vector<2000x128xf32>
    %get3A_20 = arith.constant 0 : index
    %get3A_21 = arith.constant 0 : index
    %get3A_22 = vector.load %arg1[%get3A_20, %get3A_21] : memref<2000x128xf32, #tpu.memory_space<vmem>>, vector<2000x128xf32>
    %get3A_23 = arith.constant 0 : index
    %get3A_24 = arith.constant 0 : index
    %get3A_25 = vector.load %arg4[%get3A_23, %get3A_24] : memref<128x128xf32, #tpu.memory_space<vmem>>, vector<128x128xf32>
    %dot_general3A = arith.constant dense<0.000000e+00> : vector<2000x128xf32>
    %dot_general3A_26 = tpu.matmul %mul3A_19, %get3A_25, %dot_general3A {dimension_numbers = #tpu.dot_dimension_numbers<[1], [0], [0], [1], [0, 0, 1, 1], [], []>, precision = #tpu.contract_precision<fp32>, transpose_lhs_hint = false} : vector<2000x128xf32>, vector<128x128xf32>, vector<2000x128xf32> -> vector<2000x128xf32>
    %add3A_27 = arith.addf %get3A_22, %dot_general3A_26 : vector<2000x128xf32>
    %swap3A = arith.constant 0 : index
    %swap3A_28 = arith.constant 0 : index
    %swap3A_29 = vector.load %arg5[%swap3A, %swap3A_28] : memref<2000x128xf32, #tpu.memory_space<vmem>>, vector<2000x128xf32>
    tpu.vector_store %arg5[%swap3A, %swap3A_28], %add3A_27 {strides = array<i32>} : memref<2000x128xf32, #tpu.memory_space<vmem>>, vector<2000x128xf32>,
    return
  }
  func.func @transform_0(%arg0: i32) -> (i32, i32) {
    %c0_i32 = arith.constant 0 : i32
    %c0_i32_0 = arith.constant 0 : i32
    return %arg0, %c0_i32 : i32, i32
  }
  func.func @transform_1(%arg0: i32) -> (i32, i32, i32) {
    %c0_i32 = arith.constant 0 : i32
    %c0_i32_0 = arith.constant 0 : i32
    %c0_i32_1 = arith.constant 0 : i32
    return %c0_i32, %arg0, %c0_i32_0 : i32, i32, i32
  }
  func.func @transform_2(%arg0: i32) -> (i32, i32, i32) {
    %c0_i32 = arith.constant 0 : i32
    %c0_i32_0 = arith.constant 0 : i32
    %c0_i32_1 = arith.constant 0 : i32
    return %c0_i32, %arg0, %c0_i32_0 : i32, i32, i32
  }
  func.func @transform_3(%arg0: i32) -> (i32, i32) {
    %c0_i32 = arith.constant 0 : i32
    %c0_i32_0 = arith.constant 0 : i32
    %c0_i32_1 = arith.constant 0 : i32
    return %c0_i32, %c0_i32_0 : i32, i32
  }
  func.func @transform_4(%arg0: i32) -> (i32, i32) {
    %c0_i32 = arith.constant 0 : i32
    %c0_i32_0 = arith.constant 0 : i32
    return %arg0, %c0_i32 : i32, i32
  }
}

</mosaic_0001>

<sc_bundles>
// kernel: kernel.11.cloned.1.call-start
scs
__scs_entry_jumppad:
0x0: {  	(pc) =	sbr.rel $0x88, $3  }
0x1: {  	(tag) =	ssettag $0x0;
	lr =	simm.s32 $0x1  }
0x2: {  	[smem:$0x3F99] =	sst lr;
	_ =	strace $0xD0000000  }
0x3: {  	_ = 	snop  }
0x4: {  	_ = 	snop  }
0x5: {  	_ = 	snop  }
0x6: {  	_ = 	snop  }
0x7: {  	_ = 	snop  }
__scs_overlays_trampoline_lowered:
0x8: {  	[smem:$0x3FA8] =	sst s0  }
0x9: {  	[smem:$0x3FA9] =	sst s1  }
0xa: {  	[smem:$0x3FAA] =	sst s2  }
0xb: {  	[smem:$0x3FAB] =	sst s3  }
0xc: {  	[smem:$0x3FAC] =	sst s4  }
0xd: {  	[smem:$0x3FAD] =	sst s5  }
0xe: {  	[smem:$0x3FAE] =	sst s6  }
0xf: {  	[smem:$0x3FAF] =	sst s7  }
0x10: {  	[smem:$0x3FB0] =	sst s8  }
0x11: {  	[smem:$0x3FB1] =	sst s9;
	s0 =	simm.s32 @!p0 $0x0  }
0x12: {  	s1 =	sld [smem:$0x3F97];
	s0 =	simm.s32 @p0 $0x1  }
0x13: {  	[smem:$0x3FB2] =	sst s0;
	s0 =	simm.s32 @!p1 $0x0  }
0x14: {  	s2 =	sld [smem:$0x3F96];
	s0 =	simm.s32 @p1 $0x1  }
0x15: {  	[smem:$0x3FB3] =	sst s0;
	s0 =	simm.s32 @!p2 $0x0  }
0x16: {  	s3 =	sld [smem:$0x3FDB];
	s0 =	simm.s32 @p2 $0x1  }
0x17: {  	s4 =	simm.s32 $0x1BF5;
	[smem:$0x3FB5] =	sst s0  }
0x18: {  	s0 =	sld [smem:$0x3F98];
	_ =	swait.ge [sflag:s4], $0x0  }
0x19: {  	s7 =	sld [smem:$0x3F99]  }
0x1a: {  	s8 =	sadd.s32 $0xFFFFE003, lr  }
0x1b: {  	s9 =	sadd.s32 $0xFFFFFEF7, lr;
	s5 =	simm.s32 $0xFFFFFFFF;
	p2 =	slt.u32 s8, $0xFFFFF086  }
0x1c: {  	p1 =	slt.u32 s9, $0xF7A;
	s5 =	simm.s32 @!p2 $0x0  }
0x1d: {  	s5 =	simm.s32 @p1 $0x1;
	p0 =	seq.s32 s7, s2  }
0x1e: {  	s7 =	smul.u32 @!p0 $0xF7A, s2;
	p2 =	seq.s32 @!p0 s5, $0x0  }
0x1f: {  	s9 =	smul.u32 $0xF7A, s1;
	s8 =	simm.s32 @!p0 $0x1BF5;
	p2 =	por !p2, p0  }
0x20: {  	[sflag:s8] =	ssyncset.s32 @!p0 $0xFFFFF086;
	s6 =	sadd.s32 @!p0 s3, s7;
	s7 =	simm.s32 @!p0 $0x108  }
0x21: {  	s3 =	sadd.s32 s3, s9;
	s6 =	sadd.s32 @!p0 $0x88, s6;
	s7 =	simm.s32 @p2 $0x1082  }
0x22: {  	[simem:s7], [sflag:s8] =	dma.local @!p0 [hbm:s6], $0xF7A  }
0x23: {  	s9 =	sor.u32 $0xD0000000, s2;
	s6 =	simm.s32 $0x108;
	_ =	swait.ge @!p0 [sflag:s8], $0x0  }
0x24: {  	s3 =	sadd.s32 $0x88, s3;
	s6 =	simm.s32 @!p1 $0x1082;
	[sflag:s4] =	ssyncset.s32 $0xFFFFF086  }
0x25: {  	[simem:s6], [sflag:s4] =	dma.local [hbm:s3], $0xF7A  }
0x26: {  	[smem:$0x3F99] =	sst s1;
	(tag) =	ssettag s2;
	_ =	strace s9  }
0x27: {  	s1 =	sld [smem:$0x3FA9]  }
0x28: {  	s2 =	sld [smem:$0x3FAA]  }
0x29: {  	s4 =	sld [smem:$0x3FAC]  }
0x2a: {  	p0 =	seq.s32 s5, $0x0;
	s5 =	sld [smem:$0x3FAD]  }
0x2b: {  	s6 =	sld [smem:$0x3FAE]  }
0x2c: {  	s7 =	sld [smem:$0x3FAF]  }
0x2d: {  	s3 =	simm.s32 $0x108;
	s8 =	sld [smem:$0x3FB0]  }
0x2e: {  	s3 =	simm.s32 @!p0 $0x1082;
	s9 =	sld [smem:$0x3FB1]  }
0x2f: {  	lr =	sadd.s32 s0, s3;
	s0 =	sld [smem:$0x3FA8]  }
0x30: {  	s3 =	sld [smem:$0x3FAB]  }
0x31: {  	[smem:$0x3FB4] =	sst s10  }
0x32: {  	s10 =	sld [smem:$0x3FB2];
	_ =	sdelay $0x3  }
0x33: {  	p0 =	seq.s32 s10, $0x1;
	s10 =	sld [smem:$0x3FB4];
	_ =	sdelay $0x3  }
0x34: {  	[smem:$0x3FB4] =	sst s10  }
0x35: {  	s10 =	sld [smem:$0x3FB3];
	_ =	sdelay $0x3  }
0x36: {  	p1 =	seq.s32 s10, $0x1;
	s10 =	sld [smem:$0x3FB4];
	_ =	sdelay $0x3  }
0x37: {  	[smem:$0x3FB4] =	sst s10  }
0x38: {  	s10 =	sld [smem:$0x3FB5]  }
0x39: {  	_ = 	snop;
	(pc) =	sbr.ind lr, $3  }
0x3a: {  	_ = 	snop  }
0x3b: {  	_ = 	snop  }
0x3c: {  	p2 =	seq.s32 s10, $0x1;
	s10 =	sld [smem:$0x3FB4]  }
0x3d: {  	_ =	shalt  }
0x3e: {  	_ =	shalt  }
0x3f: {  	_ =	shalt  }
0x40: {  	_ =	shalt  }
0x41: {  	_ =	shalt  }
0x42: {  	_ =	shalt  }
0x43: {  	_ =	shalt  }
0x44: {  	_ =	shalt  }
0x45: {  	_ =	shalt  }
0x46: {  	_ =	shalt  }
0x47: {  	_ =	shalt  }
0x48: {  	_ =	shalt  }
0x49: {  	_ =	shalt  }
0x4a: {  	_ =	shalt  }
0x4b: {  	_ =	shalt  }
0x4c: {  	_ =	shalt  }
0x4d: {  	_ =	shalt  }
0x4e: {  	_ =	shalt  }
0x4f: {  	_ =	shalt  }
0x50: {  	_ =	shalt  }
0x51: {  	_ =	shalt  }
0x52: {  	_ =	shalt  }
0x53: {  	_ =	shalt  }
0x54: {  	_ =	shalt  }
0x55: {  	_ =	shalt  }
0x56: {  	_ =	shalt  }
0x57: {  	_ =	shalt  }
0x58: {  	_ =	shalt  }
0x59: {  	_ =	shalt  }
0x5a: {  	_ =	shalt  }
0x5b: {  	_ =	shalt  }
0x5c: {  	_ =	shalt  }
0x5d: {  	_ =	shalt  }
0x5e: {  	_ =	shalt  }
0x5f: {  	_ =	shalt  }
0x60: {  	_ =	shalt  }
0x61: {  	_ =	shalt  }
0x62: {  	_ =	shalt  }
0x63: {  	_ =	shalt  }
0x64: {  	_ =	shalt  }
0x65: {  	_ =	shalt  }
0x66: {  	_ =	shalt  }
0x67: {  	_ =	shalt  }
0x68: {  	_ =	shalt  }
0x69: {  	_ =	shalt  }
0x6a: {  	_ =	shalt  }
0x6b: {  	_ =	shalt  }
0x6c: {  	_ =	shalt  }
0x6d: {  	_ =	shalt  }
0x6e: {  	_ =	shalt  }
0x6f: {  	_ =	shalt  }
0x70: {  	_ =	shalt  }
0x71: {  	_ =	shalt  }
0x72: {  	_ =	shalt  }
0x73: {  	_ =	shalt  }
0x74: {  	_ =	shalt  }
0x75: {  	_ =	shalt  }
0x76: {  	_ =	shalt  }
0x77: {  	_ =	shalt  }
0x78: {  	_ =	shalt  }
0x79: {  	_ =	shalt  }
0x7a: {  	_ =	shalt  }
0x7b: {  	_ =	shalt  }
0x7c: {  	_ =	shalt  }
0x7d: {  	_ =	shalt  }
0x7e: {  	_ =	shalt  }
0x7f: {  	_ =	shalt  }
0x80: {  	_ =	shalt  }
0x81: {  	_ =	shalt  }
0x82: {  	_ =	shalt  }
0x83: {  	_ =	shalt  }
0x84: {  	_ =	shalt  }
0x85: {  	_ =	shalt  }
0x86: {  	_ =	shalt  }
0x87: {  	_ =	shalt  }
.Lfunc_end0:
.L_simem_size_0:
called_computation.1_lowered:
.L_overlay_start_0:
0x88: {  	s2 =	sld [smem:$0x3FD9]  }
0x89: {  	s3 =	sld [smem:$0x3FFE];
	_ =	sdelay $0x1  }
0x8a: {  	s1 =	srdreg.scid  }
0x8b: {  	s0 =	sand.u32 $0x1, s1  }
0x8c: {  	s17 =	sshll.u32 s0, $0xA;
	s2 =	sadd.s32 s3, s2  }
0x8d: {  	s2 =	sadd.s32 s2, s17  }
0x8e: {  	[smem:$0x3FC0] =	sst s2  }
0x8f: {  	_ = 	snop  }
0x90: {  	s2 =	sld [smem:$0x3FD0];
	(tm) =	ssettm $0x1  }
0x91: {  	s18 =	sld [smem:$0x3FFB];
	_ =	sdelay $0x3  }
0x92: {  	_ =	strace s18  }
0x93: {  	s3 =	sld [smem:$0x3FFC];
	_ =	sdelay $0x3  }
0x94: {  	_ =	strace s3  }
0x95: {  	s3 =	sld [smem:$0x3FFD];
	_ =	sdelay $0x3  }
0x96: {  	_ =	strace s3  }
0x97: {  	_ =	strace $0x8FFFFFFF  }
0x98: {  	s19 =	sld [smem:$0x3FDB];
	_ =	sdelay $0x1  }
0x99: {  	s4 =	simm.s32 $_scs_section_size  }
0x9a: {  	s5 =	simm.s32 $_size__tile_overlayer_lowered;
	s6 =	simm.s32 $_tile_overlayer_lowered  }
0x9b: {  	s22 =	simm.s32 $0x1BFF;
	s21 =	sshll.u32 s6, $0x1;
	s3 =	sadd.s32 s4, s19  }
0x9c: {  	s7 =	simm.s32 $0x0;
	s20 =	sshll.u32 s5, $0x1;
	s5 =	sadd.s32 s21, s3  }
0x9d: {  	[timem:s7], [sflag:s22] =	dma.local [hbm:s5], s20  }
0x9e: {  	_ =	swait.ge [sflag:s22], s20  }
0x9f: {  	s4 =	ssub.s32 $0x0, s20;
	[sflag:s22] =	ssyncset.done $0x0  }
0xa0: {  	[sflag:s22] =	ssyncadd.s32 s4;
	_ =	sdelay $0x1  }
0xa1: {  	s23 =	simm.s32 $0x1B8B  }
0xa2: {  	_ =	swait.ge [sflag:s23], $0x1  }
0xa3: {  	[sflag:s23] =	ssyncset.done $0x0  }
0xa4: {  	s25 =	simm.s32 $0x1B8E;
	s24 =	sld [smem:$0x3FFE];
	[sflag:s23] =	ssyncadd.s32 $0xFFFFFFFF  }
0xa5: {  	s26 =	simm.s32 $execute0_lowered;
	[smem:$0x3FD2] =	sst s25  }
0xa6: {  	s5 =	sshll.u32 s26, $0x1;
	_ =	strace $0x80000049;
	[dreg:$0x1] =	wrdreg $0xFFFFFFFF  }
0xa7: {  	s28 =	simm.s32 $_size_execute0_lowered;
	s3 =	sadd.s32 s3, s5;
	[dreg:$0x0] =	wrdreg $0x0  }
0xa8: {  	s5 =	sshll.u32 s28, $0x1;
	[dreg:$0x2] =	wrdreg s3  }
0xa9: {  	[dreg:$0x3] =	wrdreg s5  }
0xaa: {  	[dreg:$0x4] =	wrdreg $0xC0  }
0xab: {  	_ =	task [dreg:s7], $0x5FFFF  }
0xac: {  	[dreg:$0x1] =	wrdreg $0xFFFFFFFF  }
0xad: {  	[dreg:$0x0] =	wrdreg $0x60  }
0xae: {  	[dreg:$0x2] =	wrdreg s2  }
0xaf: {  	[dreg:$0x3] =	wrdreg s24  }
0xb0: {  	[dreg:$0x4] =	wrdreg $0x10E500  }
0xb1: {  	[dreg:$0x5] =	wrdreg $0x9  }
0xb2: {  	_ =	task.clear_ibuf [dreg:s7], $0x6FFFF;
	_ =	strace $0x90000049  }
0xb3: {  	s29 =	simm.s32 $0x9;
	_ =	strace $0x8000004B  }
0xb4: {  	_ =	swait.ge [sflag:s29], $0x1  }
0xb5: {  	[sflag:s29] =	ssyncadd.s32 $0xFFFFFFFF  }
0xb6: {  	_ =	strace $0x9000004B  }
0xb7: {  	_ =	sfence  }
0xb8: {  	s30 =	sld [smem:$0x0];
	_ =	sdelay $0x2  }
0xb9: {  	s31 =	sshll.u32 s1, $0xD;
	s1 =	sshrl.u32 s1, $0x2  }
0xba: {  	s3 =	sand.u32 $0x4000, s31;
	s1 =	sadd.s32 s1, s30  }
0xbb: {  	s0 =	sor.u32 s3, s0;
	s1 =	sshll.u32 s1, $0x11  }
0xbc: {  	s0 =	sor.u32 s1, s0  }
0xbd: {  	s0 =	sadd.s32 $0x8F2B, s0  }
0xbe: {  	[sflag:s0] =	ssyncadd.remote.s32 $0x1  }
0xbf: {  	_ =	sfence.sel $0xFFFF  }
0xc0: {  	[dreg:$0x0] =	wrdreg $0xFFFFFFFF;
	(pc) =	sbr.abs _section_cstart, $3  }
0xc1: {  	[dreg:$0x1] =	wrdreg $0xFFFFFFFF  }
0xc2: {  	_ =	task.clear_ibuf [dreg:s7], $0x2FFFF;
	_ =	strace $0x9FFFFFFF  }
0xc3: {  	(tm) =	ssettm $0x7FFFFFFF  }
tec
execute0_lowered:
.L_overlay_start_1:
0x0: {  	(tag) =	ssettag $0x1  }
0x1: {  	s2 =	rddreg [dreg:$0x0]  }
0x2: {  	s5 =	rddreg [dreg:$0x1]  }
0x3: {  	s3 =	rddreg [dreg:$0x2]  }
0x4: {  	s1 =	stileid.u32;
	s6 =	srdreg.scid;
	s4 =	simm.s32 $0x0  }
0x5: {  	s14 =	simm.s32 $0x5;
	s15 =	simm.s32 $0x5000;
	s16 =	simm.s32 $0xDE80  }
0x6: {  	s17 =	simm.s32 $0x7D;
	s18 =	simm.s32 $0xA000;
	s19 =	simm.s32 $0x80  }
0x7: {  	s20 =	simm.s32 $0xBF40;
	s21 =	simm.s32 $0x1;
	s22 =	simm.s32 $0x3  }
0x8: {  	s23 =	simm.s32 $0x2;
	s24 =	simm.s32 $0x4;
	s7 =	smul.u32 $0xA000, s1  }
0x9: {  	s26 =	simm.s32 $0x9F80;
	s28 =	simm.s32 $0x0;
	s8 =	smul.u32 $0xA00, s1  }
0xa: {  	s25 =	sand.u32 $0x1, s6;
	[smem:$0x7FF] =	sst s4;
	s10 =	smul.u32 $0x28000, s1  }
0xb: {  	s6 =	smul.u32 $0xA0000, s25;
	_ =	strace $0x8000004A;
	s9 =	ssub.s32 $0x2, s25  }
0xc: {  	v0 =	vmov s25;
	s25 =	simm.s32 $0x9F00;
	s8 =	sadd.s32 s8, s5;
	s11 =	sshrl.u32 s9, $0x1  }
0xd: {  	s30 =	sshrl.u32 s10, $0x2;
	s6 =	sadd.s32 s7, s6;
	s13 =	ssub.s32 s9, s11  }
0xe: {  	s31 =	sadd.s32 s30, s3;
	s7 =	sadd.s32 s7, s3;
	s6 =	sshrl.u32 s6, $0x3  }
0xf: {  	s9 =	sadd.s32 $0x4000, s31;
	s10 =	sadd.s32 $0x6000, s31;
	s11 =	sadd.s32 $0x8000, s31  }
0x10: {  	s13 =	smax.u32 s13, $0x1;
	s12 =	sadd.s32 s6, s5;
	s5 =	sadd.s32 $0xBE00, s8  }
0x11: {  	v1 =	vimm.f32 $1.000000000e+00;
	v2 =	vimm.f32 $0.0e+00;
	s6 =	sadd.s32 $0x1E00, s8;
	s8 =	sadd.s32 $0x2000, s31;
	s12 =	sadd.s32 $0x65E00, s12  }
.LBB2_1:
0x12: {  	[tilespmem:s4], [sflag:$0x5] =	stream.linear.gather [hbm4b:s5+s4], $0x5000, $0x38;
	[tilespmem:$0x1AE50] =	vst v63  }
0x13: {  	_ =	swait.ge [sflag:s14], $0x5000  }
0x14: {  	[sflag:s14] =	ssyncset.done $0x0  }
0x15: {  	[sflag:s14] =	ssyncadd.s32 $0xFFFFB000  }
0x16: {  	[tilespmem:s15], [sflag:$0x5] =	stream.linear.gather [hbm4b:s6+s4], $0x5000, $0x38;
	[tilespmem:$0x1AE50] =	vst v63  }
0x17: {  	_ =	swait.ge [sflag:s14], $0x5000  }
0x18: {  	[sflag:s14] =	ssyncset.done $0x0  }
0x19: {  	s29 =	simm.s32 $0x0;
	[sflag:s14] =	ssyncadd.s32 $0xFFFFB000  }
.LBB2_2:
0x1a: {  	p0 =	sne.s32 s29, $0x1F00  }
.Ltmp0:
0x1b: {  	_ = 	snop;
	(pc) =	sbr.rel @p0 .LBB2_2-.Ltmp0, $3  }
0x1c: {  	_ =	sdelay $0x1  }
0x1d: {  	s30 =	sshra.s32 s29, $0x2  }
0x1e: {  	s29 =	sadd.s32 $0x40, s29;
	[tilespmem:s30+$0xFE80] =	vst v1  }
0x1f: {  	s29 =	simm.s32 $0x0  }
0x20: {  	s30 =	simm.s32 $0xDEA0;
	[tilespmem:s29+$0x10650] =	vst v2  }
0x21: {  	[tilespmem:s30+$0xFFFFFFE0] =	vst v2  }
0x22: {  	[tilespmem:s30+$0xFFFFFFF0] =	vst v2  }
0x23: {  	[tilespmem:s30+$0x0] =	vst v2  }
0x24: {  	s31 =	simm.s32 $0x40;
	[tilespmem:s30+$0x10] =	vst v2  }
.LBB2_4:
0x25: {  	s0 =	sshra.s32 s31, $0x2;
	p0 =	sne.s32 s31, $0x1FC0  }
.Ltmp1:
0x26: {  	s31 =	sadd.s32 $0x40, s31;
	s30 =	sadd.s32 $0x40, s30;
	[tilespmem:s0+$0x10650] =	vst v2;
	(pc) =	sbr.rel @p0 .LBB2_4-.Ltmp1, $4  }
0x27: {  	[tilespmem:s30+$0xFFFFFFE0] =	vst v2  }
0x28: {  	[tilespmem:s30+$0xFFFFFFF0] =	vst v2  }
0x29: {  	[tilespmem:s30+$0x0] =	vst v2  }
0x2a: {  	[tilespmem:s30+$0x10] =	vst v2  }
0x2b: {  	v3 =	vld [tilespmem:s29+$0x0]  }
0x2c: {  	v5 =	vld [tilespmem:s29+$0x10]  }
0x2d: {  	v7 =	vld [tilespmem:s29+$0x20]  }
0x2e: {  	v6 =	vld [tilespmem:s29+$0x30]  }
0x2f: {  	v4 =	vld [tilespmem:s29+$0x40]  }
0x30: {  	v8 =	vshll.u32 v3, $0x1;
	v3 =	vld [tilespmem:s29+$0x50]  }
0x31: {  	s30 =	simm.s32 $0x200;
	v9 =	vshll.u32 v5, $0x1;
	v5 =	vld [tilespmem:s29+$0x60];
	v8 =	vor.u32 v0, v8  }
.LBB2_6:
0x32: {  	p0 =	sne.s32 s30, $0x13E00;
	v10 =	vld [tilespmem:s29+$0x6D];
	[tilespmem:s29+$0x0] =	vst v8;
	v8 =	vor.u32 v0, v9;
	v7 =	vshll.u32 v7, $0x1  }
0x33: {  	s0 =	sshra.s32 s30, $0x2;
	[tilespmem:s29+$0x10] =	vst v8;
	v7 =	vor.u32 v0, v7;
	v6 =	vshll.u32 v6, $0x1  }
0x34: {  	v8 =	vld [tilespmem:s0+$0x0];
	[tilespmem:s29+$0x20] =	vst v7;
	v6 =	vor.u32 v0, v6;
	v4 =	vshll.u32 v4, $0x1  }
0x35: {  	v9 =	vld [tilespmem:s0+$0x10];
	[tilespmem:s29+$0x30] =	vst v6;
	v4 =	vor.u32 v0, v4;
	v3 =	vshll.u32 v3, $0x1  }
.Ltmp2:
0x36: {  	v7 =	vld [tilespmem:s0+$0x20];
	[tilespmem:s29+$0x40] =	vst v4;
	v3 =	vor.u32 v0, v3;
	v4 =	vshll.u32 v5, $0x1;
	(pc) =	sbr.rel @p0 .LBB2_6-.Ltmp2, $4  }
0x37: {  	v6 =	vld [tilespmem:s0+$0x30];
	[tilespmem:s29+$0x50] =	vst v3;
	v3 =	vor.u32 v0, v4;
	v5 =	vshll.u32 v10, $0x1  }
0x38: {  	v4 =	vld [tilespmem:s0+$0x40];
	[tilespmem:s29+$0x60] =	vst v3;
	v5 =	vor.u32 v0, v5  }
0x39: {  	v8 =	vshll.u32 v8, $0x1;
	v3 =	vld [tilespmem:s0+$0x50];
	[tilespmem:s29+$0x6D] =	vst v5;
	s29 =	smov.u32 s0  }
0x3a: {  	s30 =	sadd.s32 $0x200, s30;
	v8 =	vor.u32 v0, v8;
	v9 =	vshll.u32 v9, $0x1;
	v5 =	vld [tilespmem:s29+$0x60]  }
0x3b: {  	v10 =	vld [tilespmem:s29+$0x6D];
	[tilespmem:s29+$0x0] =	vst v8;
	v61 =	vor.u32 v0, v9;
	v7 =	vshll.u32 v7, $0x1  }
0x3c: {  	[tilespmem:s29+$0x10] =	vst v61;
	v7 =	vor.u32 v0, v7;
	v6 =	vshll.u32 v6, $0x1  }
0x3d: {  	[tilespmem:s29+$0x20] =	vst v7;
	v6 =	vor.u32 v0, v6;
	v4 =	vshll.u32 v4, $0x1  }
0x3e: {  	[tilespmem:s29+$0x30] =	vst v6;
	v4 =	vor.u32 v0, v4;
	v3 =	vshll.u32 v3, $0x1  }
0x3f: {  	[tilespmem:s29+$0x40] =	vst v4;
	v3 =	vor.u32 v0, v3;
	v62 =	vshll.u32 v5, $0x1  }
0x40: {  	[tilespmem:s29+$0x50] =	vst v3;
	v3 =	vor.u32 v0, v62;
	v63 =	vshll.u32 v10, $0x1  }
0x41: {  	[tilespmem:s29+$0x60] =	vst v3;
	v3 =	vor.u32 v0, v63  }
0x42: {  	[tilespmem:s29+$0x6D] =	vst v3  }
0x43: {  	[spmem:s7] =	stream.linear.scatter [tilespmem:s16], [sflag:$0x5], $0x2000, $0x38;
	[tilespmem:$0x1AE50] =	vst v63  }
0x44: {  	_ =	swait.ge [sflag:s14], $0x2000  }
0x45: {  	[sflag:s14] =	ssyncset.done $0x0  }
0x46: {  	[sflag:s14] =	ssyncadd.s32 $0xFFFFE000  }
0x47: {  	[spmem:s8] =	stream.linear.scatter [tilespmem:s16], [sflag:$0x5], $0x2000, $0x38;
	[tilespmem:$0x1AE50] =	vst v63  }
0x48: {  	_ =	swait.ge [sflag:s14], $0x2000  }
0x49: {  	[sflag:s14] =	ssyncset.done $0x0  }
0x4a: {  	[sflag:s14] =	ssyncadd.s32 $0xFFFFE000  }
0x4b: {  	[spmem:s9] =	stream.linear.scatter [tilespmem:s16], [sflag:$0x5], $0x2000, $0x38;
	[tilespmem:$0x1AE50] =	vst v63  }
0x4c: {  	_ =	swait.ge [sflag:s14], $0x2000  }
0x4d: {  	[sflag:s14] =	ssyncset.done $0x0  }
0x4e: {  	[sflag:s14] =	ssyncadd.s32 $0xFFFFE000  }
0x4f: {  	[spmem:s10] =	stream.linear.scatter [tilespmem:s16], [sflag:$0x5], $0x2000, $0x38;
	[tilespmem:$0x1AE50] =	vst v63  }
0x50: {  	_ =	swait.ge [sflag:s14], $0x2000  }
0x51: {  	[sflag:s14] =	ssyncset.done $0x0  }
0x52: {  	[sflag:s14] =	ssyncadd.s32 $0xFFFFE000  }
0x53: {  	[spmem:s11] =	stream.linear.scatter [tilespmem:s16], [sflag:$0x5], $0x2000, $0x38;
	[tilespmem:$0x1AE50] =	vst v63  }
0x54: {  	_ =	swait.ge [sflag:s14], $0x2000  }
0x55: {  	[sflag:s14] =	ssyncset.done $0x0  }
0x56: {  	[sflag:s14] =	ssyncadd.s32 $0xFFFFE000  }
0x57: {  	s0 =	simm.s32 $0x0;
	[bflag:$0x0] =	sbarrier.arrive $0xFFFF  }
0x58: {  	[tilespmem:s18], [sflag:$0x1] =	stream.indirect.gather [hbm4b:s2+s17], $0x40, s0, s17, $0xb8;
	[tilespmem:$0x1AE50] =	vst v63  }
0x59: {  	_ = 	snop  }
0x5a: {  	[tilespmem:s20], [sflag:$0x2] =	stream.indirect.gather [hbm4b:s2+s17], $0x40, s19, s17, $0xb8;
	[tilespmem:$0x1AE50] =	vst v63  }
0x5b: {  	_ =	swait.ge [sflag:s21], $0x1F40  }
0x5c: {  	[sflag:s21] =	ssyncset.done $0x0  }
0x5d: {  	s31 =	simm.s32 $0x5000;
	[sflag:s21] =	ssyncadd.s32 $0xFFFFE0C0  }
0x5e: {  	[spmem:s3] =	stream.indirect.scatter.add.f32 [tilespmem:s18], [sflag:$0x3], $0x40, s31, s17, $0xb8;
	[tilespmem:$0x1AE50] =	vst v63  }
0x5f: {  	_ =	swait.ge [sflag:s22], $0x1F40  }
0x60: {  	[sflag:s22] =	ssyncset.done $0x0  }
0x61: {  	s31 =	simm.s32 $0x100;
	[sflag:s22] =	ssyncadd.s32 $0xFFFFE0C0  }
0x62: {  	[tilespmem:s18], [sflag:$0x1] =	stream.indirect.gather [hbm4b:s2+s17], $0x40, s31, s17, $0xb8;
	[tilespmem:$0x1AE50] =	vst v63  }
0x63: {  	_ =	swait.ge [sflag:s23], $0x1F40  }
0x64: {  	[sflag:s23] =	ssyncset.done $0x0  }
0x65: {  	s31 =	simm.s32 $0x5080;
	[sflag:s23] =	ssyncadd.s32 $0xFFFFE0C0  }
0x66: {  	[spmem:s3] =	stream.indirect.scatter.add.f32 [tilespmem:s20], [sflag:$0x4], $0x40, s31, s17, $0xb8;
	[tilespmem:$0x1AE50] =	vst v63  }
0x67: {  	_ =	swait.ge [sflag:s24], $0x1F40  }
0x68: {  	[sflag:s24] =	ssyncset.done $0x0  }
0x69: {  	s30 =	simm.s32 $0x180;
	s29 =	simm.s32 $0x400;
	[sflag:s24] =	ssyncadd.s32 $0xFFFFE0C0  }
.LBB2_8:
0x6a: {  	[tilespmem:s20], [sflag:$0x2] =	stream.indirect.gather [hbm4b:s2+s17], $0x40, s30, s17, $0xb8;
	[tilespmem:$0x1AE50] =	vst v63  }
0x6b: {  	s0 =	smov.u32 s29  }
0x6c: {  	p0 =	sne.s32 s29, $0x13800;
	s29 =	sadd.s32 $0x400, s29;
	_ =	swait.ge [sflag:s21], $0x1F40  }
0x6d: {  	s0 =	sshra.s32 s0, $0x2;
	[sflag:s21] =	ssyncset.done $0x0  }
0x6e: {  	s30 =	sadd.s32 $0x5000, s0;
	[sflag:s21] =	ssyncadd.s32 $0xFFFFE0C0  }
0x6f: {  	[spmem:s3] =	stream.indirect.scatter.add.f32 [tilespmem:s18], [sflag:$0x3], $0x40, s30, s17, $0xb8;
	[tilespmem:$0x1AE50] =	vst v63  }
0x70: {  	_ =	swait.ge [sflag:s22], $0x1F40  }
0x71: {  	[sflag:s22] =	ssyncset.done $0x0  }
0x72: {  	s30 =	sadd.s32 $0x100, s0;
	[sflag:s22] =	ssyncadd.s32 $0xFFFFE0C0  }
0x73: {  	[tilespmem:s18], [sflag:$0x1] =	stream.indirect.gather [hbm4b:s2+s17], $0x40, s30, s17, $0xb8;
	[tilespmem:$0x1AE50] =	vst v63  }
0x74: {  	_ =	swait.ge [sflag:s23], $0x1F40  }
0x75: {  	[sflag:s23] =	ssyncset.done $0x0  }
.Ltmp3:
0x76: {  	s30 =	sadd.s32 $0x5080, s0;
	[sflag:s23] =	ssyncadd.s32 $0xFFFFE0C0;
	(pc) =	sbr.rel @p0 .LBB2_8-.Ltmp3, $4  }
0x77: {  	[spmem:s3] =	stream.indirect.scatter.add.f32 [tilespmem:s20], [sflag:$0x4], $0x40, s30, s17, $0xb8;
	[tilespmem:$0x1AE50] =	vst v63  }
0x78: {  	_ =	swait.ge [sflag:s24], $0x1F40  }
0x79: {  	[sflag:s24] =	ssyncset.done $0x0  }
0x7a: {  	s30 =	sadd.s32 $0x180, s0;
	[sflag:s24] =	ssyncadd.s32 $0xFFFFE0C0  }
0x7b: {  	[tilespmem:s20], [sflag:$0x2] =	stream.indirect.gather [hbm4b:s2+s17], $0x40, s30, s17, $0xb8;
	[tilespmem:$0x1AE50] =	vst v63  }
0x7c: {  	_ =	swait.ge [sflag:s21], $0x1F40  }
0x7d: {  	[sflag:s21] =	ssyncset.done $0x0  }
0x7e: {  	[sflag:s21] =	ssyncadd.s32 $0xFFFFE0C0  }
0x7f: {  	[spmem:s3] =	stream.indirect.scatter.add.f32 [tilespmem:s18], [sflag:$0x3], $0x40, s25, s17, $0xb8;
	[tilespmem:$0x1AE50] =	vst v63  }
0x80: {  	_ =	swait.ge [sflag:s23], $0x1F40  }
0x81: {  	[sflag:s23] =	ssyncset.done $0x0  }
0x82: {  	[sflag:s23] =	ssyncadd.s32 $0xFFFFE0C0  }
0x83: {  	[spmem:s3] =	stream.indirect.scatter.add.f32 [tilespmem:s20], [sflag:$0x4], $0x40, s26, s17, $0xb8;
	[tilespmem:$0x1AE50] =	vst v63  }
0x84: {  	_ =	swait.ge [sflag:s22], $0x1F40  }
0x85: {  	[sflag:s22] =	ssyncset.done $0x0  }
0x86: {  	[sflag:s22] =	ssyncadd.s32 $0xFFFFE0C0  }
0x87: {  	_ =	swait.ge [sflag:s24], $0x1F40  }
0x88: {  	s0 =	sshll.u32 s1, $0x6;
	s28 =	sadd.s32 $0x1, s28;
	[sflag:s24] =	ssyncset.done $0x0  }
0x89: {  	s29 =	sshrl.u32 s7, $0x3;
	p0 =	sne.s32 s28, s13;
	[sflag:s24] =	ssyncadd.s32 $0xFFFFE0C0  }
.Ltmp4:
0x8a: {  	s0 =	sor.u32 $0x1C05, s0;
	[bflag:$0x0] =	sbarrier.arrive $0xFFFF;
	(pc) =	sbr.rel @p0 .LBB2_1-.Ltmp4, $4  }
0x8b: {  	[hbm:s12], [sflag:s0] =	dma.local [spmem:s29], $0x1400  }
0x8c: {  	_ =	swait.ge [sflag:s14], $0x1400  }
0x8d: {  	[sflag:s14] =	ssyncset.done $0x0  }
0x8e: {  	[sflag:s14] =	ssyncadd.s32 $0xFFFFEC00  }
0x8f: {  	_ =	sfence.sel $0x180000  }
0x90: {  	[bflag:$0x0] =	sbarrier.arrive $0xFFFF  }
0x91: {  	_ =	strace $0x9000004A  }
0x92: {  	[bflag:$0x2] =	sbarrier.arrive $0xFFFF  }
0x93: {  	p0 =	sne.s32 s1, $0x0;
	s0 =	rddreg [dreg:$0x3]  }
0x94: {  	s0 =	sadd.s32 @!p0 $0x100000, s0  }
0x95: {  	[sflag:s0] =	ssyncadd.tile.s32 @!p0 $0x1;
	_ =	shalt  }
.Lfunc_end2:
_tile_overlayer_lowered:
.L_overlay_start_2:
0x96: {  	(tag) =	ssettag $0x2  }
0x97: {  	s0 =	rddreg [dreg:$0x0];
	s2 =	stileid.u32  }
0x98: {  	s1 =	rddreg [dreg:$0x1];
	p0 =	sne.s32 s2, $0x0  }
0x99: {  	s3 =	rddreg [dreg:$0x2];
	[bflag:$0x3] =	sbarrier.arrive $0xFFFF;
	s2 =	simm.s32 @!p0 $0x1C05  }
0x9a: {  	[timem:s3], [sflag:s2] =	dma.local @!p0 [hbm:s0], s1  }
0x9b: {  	s0 =	simm.s32 @!p0 $0x5  }
0x9c: {  	_ =	swait.ge @!p0 [sflag:s0], s1  }
0x9d: {  	s1 =	ssub.s32 @!p0 $0x0, s1;
	[sflag:s0] =	ssyncset.done @!p0 $0x0  }
0x9e: {  	[sflag:s0] =	ssyncadd.s32 @!p0 s1  }
0x9f: {  	[bflag:$0x3] =	sbarrier.arrive $0xFFFF  }
0xa0: {  	_ =	shalt  }

// kernel: kernel.8.cloned.1.call-start
scs
__scs_entry_jumppad:
0x0: {  	(pc) =	sbr.rel $0x88, $3  }
0x1: {  	(tag) =	ssettag $0x0;
	lr =	simm.s32 $0x1  }
0x2: {  	[smem:$0x3F99] =	sst lr;
	_ =	strace $0xD0000000  }
0x3: {  	_ = 	snop  }
0x4: {  	_ = 	snop  }
0x5: {  	_ = 	snop  }
0x6: {  	_ = 	snop  }
0x7: {  	_ = 	snop  }
__scs_overlays_trampoline_lowered:
0x8: {  	[smem:$0x3FA8] =	sst s0  }
0x9: {  	[smem:$0x3FA9] =	sst s1  }
0xa: {  	[smem:$0x3FAA] =	sst s2  }
0xb: {  	[smem:$0x3FAB] =	sst s3  }
0xc: {  	[smem:$0x3FAC] =	sst s4  }
0xd: {  	[smem:$0x3FAD] =	sst s5  }
0xe: {  	[smem:$0x3FAE] =	sst s6  }
0xf: {  	[smem:$0x3FAF] =	sst s7  }
0x10: {  	[smem:$0x3FB0] =	sst s8  }
0x11: {  	[smem:$0x3FB1] =	sst s9;
	s0 =	simm.s32 @!p0 $0x0  }
0x12: {  	s1 =	sld [smem:$0x3F97];
	s0 =	simm.s32 @p0 $0x1  }
0x13: {  	[smem:$0x3FB2] =	sst s0;
	s0 =	simm.s32 @!p1 $0x0  }
0x14: {  	s2 =	sld [smem:$0x3F96];
	s0 =	simm.s32 @p1 $0x1  }
0x15: {  	[smem:$0x3FB3] =	sst s0;
	s0 =	simm.s32 @!p2 $0x0  }
0x16: {  	s3 =	sld [smem:$0x3FDB];
	s0 =	simm.s32 @p2 $0x1  }
0x17: {  	s4 =	simm.s32 $0x1BF5;
	[smem:$0x3FB5] =	sst s0  }
0x18: {  	s0 =	sld [smem:$0x3F98];
	_ =	swait.ge [sflag:s4], $0x0  }
0x19: {  	s7 =	sld [smem:$0x3F99]  }
0x1a: {  	s8 =	sadd.s32 $0xFFFFE003, lr  }
0x1b: {  	s9 =	sadd.s32 $0xFFFFFEF7, lr;
	s5 =	simm.s32 $0xFFFFFFFF;
	p2 =	slt.u32 s8, $0xFFFFF086  }
0x1c: {  	p1 =	slt.u32 s9, $0xF7A;
	s5 =	simm.s32 @!p2 $0x0  }
0x1d: {  	s5 =	simm.s32 @p1 $0x1;
	p0 =	seq.s32 s7, s2  }
0x1e: {  	s7 =	smul.u32 @!p0 $0xF7A, s2;
	p2 =	seq.s32 @!p0 s5, $0x0  }
0x1f: {  	s9 =	smul.u32 $0xF7A, s1;
	s8 =	simm.s32 @!p0 $0x1BF5;
	p2 =	por !p2, p0  }
0x20: {  	[sflag:s8] =	ssyncset.s32 @!p0 $0xFFFFF086;
	s6 =	sadd.s32 @!p0 s3, s7;
	s7 =	simm.s32 @!p0 $0x108  }
0x21: {  	s3 =	sadd.s32 s3, s9;
	s6 =	sadd.s32 @!p0 $0x88, s6;
	s7 =	simm.s32 @p2 $0x1082  }
0x22: {  	[simem:s7], [sflag:s8] =	dma.local @!p0 [hbm:s6], $0xF7A  }
0x23: {  	s9 =	sor.u32 $0xD0000000, s2;
	s6 =	simm.s32 $0x108;
	_ =	swait.ge @!p0 [sflag:s8], $0x0  }
0x24: {  	s3 =	sadd.s32 $0x88, s3;
	s6 =	simm.s32 @!p1 $0x1082;
	[sflag:s4] =	ssyncset.s32 $0xFFFFF086  }
0x25: {  	[simem:s6], [sflag:s4] =	dma.local [hbm:s3], $0xF7A  }
0x26: {  	[smem:$0x3F99] =	sst s1;
	(tag) =	ssettag s2;
	_ =	strace s9  }
0x27: {  	s1 =	sld [smem:$0x3FA9]  }
0x28: {  	s2 =	sld [smem:$0x3FAA]  }
0x29: {  	s4 =	sld [smem:$0x3FAC]  }
0x2a: {  	p0 =	seq.s32 s5, $0x0;
	s5 =	sld [smem:$0x3FAD]  }
0x2b: {  	s6 =	sld [smem:$0x3FAE]  }
0x2c: {  	s7 =	sld [smem:$0x3FAF]  }
0x2d: {  	s3 =	simm.s32 $0x108;
	s8 =	sld [smem:$0x3FB0]  }
0x2e: {  	s3 =	simm.s32 @!p0 $0x1082;
	s9 =	sld [smem:$0x3FB1]  }
0x2f: {  	lr =	sadd.s32 s0, s3;
	s0 =	sld [smem:$0x3FA8]  }
0x30: {  	s3 =	sld [smem:$0x3FAB]  }
0x31: {  	[smem:$0x3FB4] =	sst s10  }
0x32: {  	s10 =	sld [smem:$0x3FB2];
	_ =	sdelay $0x3  }
0x33: {  	p0 =	seq.s32 s10, $0x1;
	s10 =	sld [smem:$0x3FB4];
	_ =	sdelay $0x3  }
0x34: {  	[smem:$0x3FB4] =	sst s10  }
0x35: {  	s10 =	sld [smem:$0x3FB3];
	_ =	sdelay $0x3  }
0x36: {  	p1 =	seq.s32 s10, $0x1;
	s10 =	sld [smem:$0x3FB4];
	_ =	sdelay $0x3  }
0x37: {  	[smem:$0x3FB4] =	sst s10  }
0x38: {  	s10 =	sld [smem:$0x3FB5]  }
0x39: {  	_ = 	snop;
	(pc) =	sbr.ind lr, $3  }
0x3a: {  	_ = 	snop  }
0x3b: {  	_ = 	snop  }
0x3c: {  	p2 =	seq.s32 s10, $0x1;
	s10 =	sld [smem:$0x3FB4]  }
0x3d: {  	_ =	shalt  }
0x3e: {  	_ =	shalt  }
0x3f: {  	_ =	shalt  }
0x40: {  	_ =	shalt  }
0x41: {  	_ =	shalt  }
0x42: {  	_ =	shalt  }
0x43: {  	_ =	shalt  }
0x44: {  	_ =	shalt  }
0x45: {  	_ =	shalt  }
0x46: {  	_ =	shalt  }
0x47: {  	_ =	shalt  }
0x48: {  	_ =	shalt  }
0x49: {  	_ =	shalt  }
0x4a: {  	_ =	shalt  }
0x4b: {  	_ =	shalt  }
0x4c: {  	_ =	shalt  }
0x4d: {  	_ =	shalt  }
0x4e: {  	_ =	shalt  }
0x4f: {  	_ =	shalt  }
0x50: {  	_ =	shalt  }
0x51: {  	_ =	shalt  }
0x52: {  	_ =	shalt  }
0x53: {  	_ =	shalt  }
0x54: {  	_ =	shalt  }
0x55: {  	_ =	shalt  }
0x56: {  	_ =	shalt  }
0x57: {  	_ =	shalt  }
0x58: {  	_ =	shalt  }
0x59: {  	_ =	shalt  }
0x5a: {  	_ =	shalt  }
0x5b: {  	_ =	shalt  }
0x5c: {  	_ =	shalt  }
0x5d: {  	_ =	shalt  }
0x5e: {  	_ =	shalt  }
0x5f: {  	_ =	shalt  }
0x60: {  	_ =	shalt  }
0x61: {  	_ =	shalt  }
0x62: {  	_ =	shalt  }
0x63: {  	_ =	shalt  }
0x64: {  	_ =	shalt  }
0x65: {  	_ =	shalt  }
0x66: {  	_ =	shalt  }
0x67: {  	_ =	shalt  }
0x68: {  	_ =	shalt  }
0x69: {  	_ =	shalt  }
0x6a: {  	_ =	shalt  }
0x6b: {  	_ =	shalt  }
0x6c: {  	_ =	shalt  }
0x6d: {  	_ =	shalt  }
0x6e: {  	_ =	shalt  }
0x6f: {  	_ =	shalt  }
0x70: {  	_ =	shalt  }
0x71: {  	_ =	shalt  }
0x72: {  	_ =	shalt  }
0x73: {  	_ =	shalt  }
0x74: {  	_ =	shalt  }
0x75: {  	_ =	shalt  }
0x76: {  	_ =	shalt  }
0x77: {  	_ =	shalt  }
0x78: {  	_ =	shalt  }
0x79: {  	_ =	shalt  }
0x7a: {  	_ =	shalt  }
0x7b: {  	_ =	shalt  }
0x7c: {  	_ =	shalt  }
0x7d: {  	_ =	shalt  }
0x7e: {  	_ =	shalt  }
0x7f: {  	_ =	shalt  }
0x80: {  	_ =	shalt  }
0x81: {  	_ =	shalt  }
0x82: {  	_ =	shalt  }
0x83: {  	_ =	shalt  }
0x84: {  	_ =	shalt  }
0x85: {  	_ =	shalt  }
0x86: {  	_ =	shalt  }
0x87: {  	_ =	shalt  }
.Lfunc_end0:
.L_simem_size_0:
called_computation_lowered:
.L_overlay_start_0:
0x88: {  	s2 =	sld [smem:$0x3FD9]  }
0x89: {  	s3 =	sld [smem:$0x3FFE];
	_ =	sdelay $0x1  }
0x8a: {  	s1 =	srdreg.scid  }
0x8b: {  	s0 =	sand.u32 $0x1, s1  }
0x8c: {  	s17 =	sshll.u32 s0, $0xA;
	s2 =	sadd.s32 s3, s2  }
0x8d: {  	s2 =	sadd.s32 s2, s17  }
0x8e: {  	[smem:$0x3FC0] =	sst s2  }
0x8f: {  	_ = 	snop  }
0x90: {  	s2 =	sld [smem:$0x3FC9]  }
0x91: {  	s18 =	sld [smem:$0x3FD0];
	(tm) =	ssettm $0x1  }
0x92: {  	s4 =	sld [smem:$0x3FFB];
	_ =	sdelay $0x3  }
0x93: {  	_ =	strace s4  }
0x94: {  	s4 =	sld [smem:$0x3FFC];
	_ =	sdelay $0x3  }
0x95: {  	_ =	strace s4  }
0x96: {  	s4 =	sld [smem:$0x3FFD];
	_ =	sdelay $0x3  }
0x97: {  	_ =	strace s4  }
0x98: {  	_ =	strace $0x8FFFFFFF  }
0x99: {  	s19 =	sld [smem:$0x3FDB];
	_ =	sdelay $0x1  }
0x9a: {  	s5 =	simm.s32 $_scs_section_size  }
0x9b: {  	s6 =	simm.s32 $_size__tile_overlayer_lowered;
	s7 =	simm.s32 $_tile_overlayer_lowered  }
0x9c: {  	s22 =	simm.s32 $0x1BFF;
	s21 =	sshll.u32 s7, $0x1;
	s4 =	sadd.s32 s5, s19  }
0x9d: {  	s8 =	simm.s32 $0x0;
	s20 =	sshll.u32 s6, $0x1;
	s6 =	sadd.s32 s21, s4  }
0x9e: {  	[timem:s8], [sflag:s22] =	dma.local [hbm:s6], s20  }
0x9f: {  	_ =	swait.ge [sflag:s22], s20  }
0xa0: {  	s5 =	ssub.s32 $0x0, s20;
	[sflag:s22] =	ssyncset.done $0x0  }
0xa1: {  	[sflag:s22] =	ssyncadd.s32 s5;
	_ =	sdelay $0x1  }
0xa2: {  	s23 =	simm.s32 $0x1B8B  }
0xa3: {  	_ =	swait.ge [sflag:s23], $0x1  }
0xa4: {  	[sflag:s23] =	ssyncset.done $0x0  }
0xa5: {  	s25 =	simm.s32 $0x1B8E;
	s24 =	sld [smem:$0x3FFE];
	[sflag:s23] =	ssyncadd.s32 $0xFFFFFFFF  }
0xa6: {  	s26 =	simm.s32 $execute0_lowered;
	[smem:$0x3FD2] =	sst s25  }
0xa7: {  	s6 =	sshll.u32 s26, $0x1;
	_ =	strace $0x80000046;
	[dreg:$0x1] =	wrdreg $0xFFFFFFFF  }
0xa8: {  	s28 =	simm.s32 $_size_execute0_lowered;
	s4 =	sadd.s32 s4, s6;
	[dreg:$0x0] =	wrdreg $0x0  }
0xa9: {  	s6 =	sshll.u32 s28, $0x1;
	[dreg:$0x2] =	wrdreg s4  }
0xaa: {  	[dreg:$0x3] =	wrdreg s6  }
0xab: {  	[dreg:$0x4] =	wrdreg $0xC0  }
0xac: {  	_ =	task [dreg:s8], $0x5FFFF  }
0xad: {  	[dreg:$0x1] =	wrdreg $0xFFFFFFFF  }
0xae: {  	[dreg:$0x0] =	wrdreg $0x60  }
0xaf: {  	[dreg:$0x2] =	wrdreg s2  }
0xb0: {  	[dreg:$0x3] =	wrdreg s24  }
0xb1: {  	[dreg:$0x4] =	wrdreg s18  }
0xb2: {  	[dreg:$0x5] =	wrdreg $0x10E500  }
0xb3: {  	[dreg:$0x6] =	wrdreg $0x1AE500  }
0xb4: {  	[dreg:$0x7] =	wrdreg $0x9  }
0xb5: {  	_ =	task.clear_ibuf [dreg:s8], $0x8FFFF;
	_ =	strace $0x90000046  }
0xb6: {  	s29 =	simm.s32 $0x9;
	_ =	strace $0x80000048  }
0xb7: {  	_ =	swait.ge [sflag:s29], $0x1  }
0xb8: {  	[sflag:s29] =	ssyncadd.s32 $0xFFFFFFFF  }
0xb9: {  	_ =	strace $0x90000048  }
0xba: {  	_ =	sfence  }
0xbb: {  	s30 =	sld [smem:$0x0];
	_ =	sdelay $0x2  }
0xbc: {  	s31 =	sshll.u32 s1, $0xD;
	s1 =	sshrl.u32 s1, $0x2  }
0xbd: {  	s3 =	sand.u32 $0x4000, s31;
	s1 =	sadd.s32 s1, s30  }
0xbe: {  	s0 =	sor.u32 s3, s0;
	s1 =	sshll.u32 s1, $0x11  }
0xbf: {  	s0 =	sor.u32 s1, s0  }
0xc0: {  	s0 =	sadd.s32 $0x8F2B, s0  }
0xc1: {  	[sflag:s0] =	ssyncadd.remote.s32 $0x1  }
0xc2: {  	_ =	sfence.sel $0xFFFF  }
0xc3: {  	[dreg:$0x0] =	wrdreg $0xFFFFFFFF;
	(pc) =	sbr.abs _section_cstart, $3  }
0xc4: {  	[dreg:$0x1] =	wrdreg $0xFFFFFFFF  }
0xc5: {  	_ =	task.clear_ibuf [dreg:s8], $0x2FFFF;
	_ =	strace $0x9FFFFFFF  }
0xc6: {  	(tm) =	ssettm $0x7FFFFFFF  }
0xc7: {  	_ =	shalt  }
tec
execute0_lowered:
.L_overlay_start_1:
0x0: {  	(tag) =	ssettag $0x1  }
0x1: {  	s1 =	rddreg [dreg:$0x0]  }
0x2: {  	s0 =	rddreg [dreg:$0x1]  }
0x3: {  	s3 =	rddreg [dreg:$0x2]  }
0x4: {  	s2 =	rddreg [dreg:$0x3]  }
0x5: {  	s11 =	stileid.u32;
	s6 =	srdreg.scid  }
0x6: {  	s4 =	rddreg [dreg:$0x4];
	s7 =	simm.s32 $0x0;
	s5 =	smul.u32 $0xA00, s11  }
0x7: {  	s28 =	simm.s32 $0x7D;
	s29 =	simm.s32 $0xA000;
	s9 =	smul.u32 $0xA000, s11  }
0x8: {  	s31 =	simm.s32 $0xBF40;
	s30 =	simm.s32 $0x4;
	s12 =	smul.u32 $0x280, s11  }
0x9: {  	s8 =	sand.u32 $0x1, s6;
	[smem:$0x7FF] =	sst s7;
	s18 =	smul.u32 $0x2800, s11  }
0xa: {  	s6 =	smul.u32 $0xA0000, s8;
	_ =	strace $0x80000047;
	s10 =	ssub.s32 $0x2, s8  }
0xb: {  	p0 =	seq.s32 s8, $0x1;
	s5 =	sadd.s32 s5, s0;
	s26 =	sshrl.u32 s10, $0x1  }
0xc: {  	s14 =	sadd.s32 $0x80, s12;
	s11 =	sadd.s32 s18, s4;
	s16 =	sadd.s32 $0x100, s12  }
0xd: {  	s20 =	sadd.s32 $0x180, s12;
	s23 =	sadd.s32 $0x200, s12;
	s6 =	sadd.s32 s9, s6  }
0xe: {  	s22 =	ssub.s32 s10, s26;
	s13 =	sadd.s32 $0xBE00, s5;
	s5 =	sadd.s32 $0x1E00, s5  }
0xf: {  	s10 =	sadd.s32 s9, s2;
	s15 =	sshll.u32 s14, $0x6;
	s17 =	sshll.u32 s16, $0x6  }
0x10: {  	s21 =	sshll.u32 s20, $0x6;
	s24 =	sshll.u32 s23, $0x6;
	[dreg:$0x6] =	wrdreg s13  }
0x11: {  	s25 =	sshrl.u32 s6, $0x3;
	s6 =	smul.u32 $0x50, s8;
	[dreg:$0x7] =	wrdreg s5  }
0x12: {  	s9 =	sadd.s32 s15, s2;
	s5 =	sshll.u32 s14, $0x4;
	s22 =	smax.u32 s22, $0x1  }
0x13: {  	s0 =	sadd.s32 s25, s0;
	[dreg:$0x8] =	wrdreg s9;
	s5 =	sadd.s32 s5, s4  }
0x14: {  	s9 =	sshll.u32 s16, $0x4;
	[dreg:$0x9] =	wrdreg s5;
	s5 =	sadd.s32 s17, s2  }
0x15: {  	s7 =	sadd.s32 $0x50, s6;
	s19 =	sadd.s32 s9, s4;
	[dreg:$0xa] =	wrdreg s5  }
0x16: {  	s9 =	sadd.s32 s21, s2;
	[dreg:$0xb] =	wrdreg s19;
	s5 =	sshll.u32 s20, $0x4  }
0x17: {  	s19 =	smul.u32 $0x28000, s8;
	[dreg:$0xc] =	wrdreg s9;
	s5 =	sadd.s32 s5, s4  }
0x18: {  	s20 =	sadd.s32 $0x15E00, s0;
	s0 =	simm.s32 $0x2;
	[dreg:$0xd] =	wrdreg s5  }
0x19: {  	s5 =	sshll.u32 s23, $0x4;
	s25 =	sadd.s32 s18, s19;
	s18 =	sadd.s32 s24, s2  }
0x1a: {  	s23 =	simm.s32 $0x5;
	s24 =	simm.s32 $0x3;
	s19 =	sadd.s32 s5, s4  }
0x1b: {  	s26 =	sshrl.u32 s25, $0x3;
	s25 =	simm.s32 $0xDE80;
	s5 =	simm.s32 $0x0  }
0x1c: {  	v1 =	vimm.f32 $1.000000000e+00;
	v2 =	vimm.f32 $0.0e+00;
	v0 =	vmov s8;
	s21 =	sadd.s32 s3, s26;
	s26 =	simm.s32 $0x10650;
	s3 =	simm.s32 $0x1  }
.LBB2_1:
0x1d: {  	s8 =	simm.s32 $0x0;
	s9 =	rddreg [dreg:$0x6]  }
0x1e: {  	[tilespmem:s8], [sflag:$0x5] =	stream.linear.gather [hbm4b:s9+s8], $0x5000, $0x38;
	[tilespmem:$0x1D650] =	vst v63  }
0x1f: {  	_ =	swait.ge [sflag:s23], $0x5000  }
0x20: {  	[sflag:s23] =	ssyncset.done $0x0  }
0x21: {  	s12 =	simm.s32 $0x5000;
	s17 =	rddreg [dreg:$0x7];
	[sflag:s23] =	ssyncadd.s32 $0xFFFFB000  }
0x22: {  	[tilespmem:s12], [sflag:$0x5] =	stream.linear.gather [hbm4b:s17+s8], $0x5000, $0x38;
	[tilespmem:$0x1D650] =	vst v63  }
0x23: {  	_ =	swait.ge [sflag:s23], $0x5000  }
0x24: {  	[sflag:s23] =	ssyncset.done $0x0  }
0x25: {  	s8 =	simm.s32 $0x0;
	[sflag:s23] =	ssyncadd.s32 $0xFFFFB000  }
.LBB2_2:
0x26: {  	p1 =	sne.s32 s8, $0x1F00  }
.Ltmp0:
0x27: {  	_ = 	snop;
	(pc) =	sbr.rel @p1 .LBB2_2-.Ltmp0, $3  }
0x28: {  	_ =	sdelay $0x1  }
0x29: {  	s9 =	sshra.s32 s8, $0x2  }
0x2a: {  	s8 =	sadd.s32 $0x40, s8;
	[tilespmem:s9+$0xFE80] =	vst v1  }
0x2b: {  	s8 =	simm.s32 $0x0  }
0x2c: {  	s9 =	simm.s32 $0xDEA0;
	[tilespmem:s8+$0x10650] =	vst v2  }
0x2d: {  	[tilespmem:s9+$0xFFFFFFE0] =	vst v2  }
0x2e: {  	[tilespmem:s9+$0xFFFFFFF0] =	vst v2  }
0x2f: {  	[tilespmem:s9+$0x0] =	vst v2  }
0x30: {  	s12 =	simm.s32 $0x40;
	[tilespmem:s9+$0x10] =	vst v2  }
.LBB2_4:
0x31: {  	s13 =	sshra.s32 s12, $0x2;
	p1 =	sne.s32 s12, $0x1FC0  }
.Ltmp1:
0x32: {  	s12 =	sadd.s32 $0x40, s12;
	s9 =	sadd.s32 $0x40, s9;
	[tilespmem:s13+$0x10650] =	vst v2;
	(pc) =	sbr.rel @p1 .LBB2_4-.Ltmp1, $4  }
0x33: {  	[tilespmem:s9+$0xFFFFFFE0] =	vst v2  }
0x34: {  	[tilespmem:s9+$0xFFFFFFF0] =	vst v2  }
0x35: {  	[tilespmem:s9+$0x0] =	vst v2  }
0x36: {  	[tilespmem:s9+$0x10] =	vst v2  }
0x37: {  	v3 =	vld [tilespmem:s8+$0x0]  }
0x38: {  	v5 =	vld [tilespmem:s8+$0x10]  }
0x39: {  	v7 =	vld [tilespmem:s8+$0x20]  }
0x3a: {  	v6 =	vld [tilespmem:s8+$0x30]  }
0x3b: {  	v4 =	vld [tilespmem:s8+$0x40]  }
0x3c: {  	v8 =	vshll.u32 v3, $0x1;
	v3 =	vld [tilespmem:s8+$0x50]  }
0x3d: {  	s9 =	simm.s32 $0x200;
	v9 =	vshll.u32 v5, $0x1;
	v5 =	vld [tilespmem:s8+$0x60];
	v8 =	vor.u32 v0, v8  }
.LBB2_6:
0x3e: {  	p1 =	sne.s32 s9, $0x13E00;
	v10 =	vld [tilespmem:s8+$0x6D];
	[tilespmem:s8+$0x0] =	vst v8;
	v8 =	vor.u32 v0, v9;
	v7 =	vshll.u32 v7, $0x1  }
0x3f: {  	s12 =	sshra.s32 s9, $0x2;
	[tilespmem:s8+$0x10] =	vst v8;
	v7 =	vor.u32 v0, v7;
	v6 =	vshll.u32 v6, $0x1  }
0x40: {  	v8 =	vld [tilespmem:s12+$0x0];
	[tilespmem:s8+$0x20] =	vst v7;
	v6 =	vor.u32 v0, v6;
	v4 =	vshll.u32 v4, $0x1  }
0x41: {  	v9 =	vld [tilespmem:s12+$0x10];
	[tilespmem:s8+$0x30] =	vst v6;
	v4 =	vor.u32 v0, v4;
	v3 =	vshll.u32 v3, $0x1  }
.Ltmp2:
0x42: {  	v7 =	vld [tilespmem:s12+$0x20];
	[tilespmem:s8+$0x40] =	vst v4;
	v3 =	vor.u32 v0, v3;
	v4 =	vshll.u32 v5, $0x1;
	(pc) =	sbr.rel @p1 .LBB2_6-.Ltmp2, $4  }
0x43: {  	v6 =	vld [tilespmem:s12+$0x30];
	[tilespmem:s8+$0x50] =	vst v3;
	v3 =	vor.u32 v0, v4;
	v5 =	vshll.u32 v10, $0x1  }
0x44: {  	v4 =	vld [tilespmem:s12+$0x40];
	[tilespmem:s8+$0x60] =	vst v3;
	v5 =	vor.u32 v0, v5  }
0x45: {  	v8 =	vshll.u32 v8, $0x1;
	v3 =	vld [tilespmem:s12+$0x50];
	[tilespmem:s8+$0x6D] =	vst v5;
	s8 =	smov.u32 s12  }
0x46: {  	s9 =	sadd.s32 $0x200, s9;
	v8 =	vor.u32 v0, v8;
	v9 =	vshll.u32 v9, $0x1;
	v5 =	vld [tilespmem:s8+$0x60]  }
0x47: {  	v10 =	vld [tilespmem:s8+$0x6D];
	[tilespmem:s8+$0x0] =	vst v8;
	v61 =	vor.u32 v0, v9;
	v7 =	vshll.u32 v7, $0x1  }
0x48: {  	[tilespmem:s8+$0x10] =	vst v61;
	v7 =	vor.u32 v0, v7;
	v6 =	vshll.u32 v6, $0x1  }
0x49: {  	[tilespmem:s8+$0x20] =	vst v7;
	v6 =	vor.u32 v0, v6;
	v4 =	vshll.u32 v4, $0x1  }
0x4a: {  	[tilespmem:s8+$0x30] =	vst v6;
	v4 =	vor.u32 v0, v4;
	v3 =	vshll.u32 v3, $0x1  }
0x4b: {  	[tilespmem:s8+$0x40] =	vst v4;
	v3 =	vor.u32 v0, v3;
	v62 =	vshll.u32 v5, $0x1  }
0x4c: {  	[tilespmem:s8+$0x50] =	vst v3;
	v3 =	vor.u32 v0, v62;
	v63 =	vshll.u32 v10, $0x1  }
0x4d: {  	[tilespmem:s8+$0x60] =	vst v3;
	v3 =	vor.u32 v0, v63  }
0x4e: {  	[tilespmem:s8+$0x6D] =	vst v3  }
0x4f: {  	[spmem:s10] =	stream.linear.scatter [tilespmem:s25], [sflag:$0x5], $0x2000, $0x38;
	[tilespmem:$0x1D650] =	vst v63  }
0x50: {  	_ =	swait.ge [sflag:s23], $0x2000  }
0x51: {  	[sflag:s23] =	ssyncset.done $0x0  }
0x52: {  	[sflag:s23] =	ssyncadd.s32 $0xFFFFE000  }
0x53: {  	[spmem:s11] =	stream.linear.scatter [tilespmem:s26], [sflag:$0x5], $0x800, $0x38;
	[tilespmem:$0x1D650] =	vst v63  }
0x54: {  	_ =	swait.ge [sflag:s23], $0x800  }
0x55: {  	[sflag:s23] =	ssyncset.done $0x0  }
0x56: {  	s16 =	rddreg [dreg:$0x8];
	[sflag:s23] =	ssyncadd.s32 $0xFFFFF800  }
0x57: {  	[spmem:s16] =	stream.linear.scatter [tilespmem:s25], [sflag:$0x5], $0x2000, $0x38;
	[tilespmem:$0x1D650] =	vst v63  }
0x58: {  	_ =	swait.ge [sflag:s23], $0x2000  }
0x59: {  	[sflag:s23] =	ssyncset.done $0x0  }
0x5a: {  	s17 =	rddreg [dreg:$0x9];
	[sflag:s23] =	ssyncadd.s32 $0xFFFFE000  }
0x5b: {  	[spmem:s17] =	stream.linear.scatter [tilespmem:s26], [sflag:$0x5], $0x800, $0x38;
	[tilespmem:$0x1D650] =	vst v63  }
0x5c: {  	_ =	swait.ge [sflag:s23], $0x800  }
0x5d: {  	[sflag:s23] =	ssyncset.done $0x0  }
0x5e: {  	s9 =	rddreg [dreg:$0xa];
	[sflag:s23] =	ssyncadd.s32 $0xFFFFF800  }
0x5f: {  	[spmem:s9] =	stream.linear.scatter [tilespmem:s25], [sflag:$0x5], $0x2000, $0x38;
	[tilespmem:$0x1D650] =	vst v63  }
0x60: {  	_ =	swait.ge [sflag:s23], $0x2000  }
0x61: {  	[sflag:s23] =	ssyncset.done $0x0  }
0x62: {  	s12 =	rddreg [dreg:$0xb];
	[sflag:s23] =	ssyncadd.s32 $0xFFFFE000  }
0x63: {  	[spmem:s12] =	stream.linear.scatter [tilespmem:s26], [sflag:$0x5], $0x800, $0x38;
	[tilespmem:$0x1D650] =	vst v63  }
0x64: {  	_ =	swait.ge [sflag:s23], $0x800  }
0x65: {  	[sflag:s23] =	ssyncset.done $0x0  }
0x66: {  	s13 =	rddreg [dreg:$0xc];
	[sflag:s23] =	ssyncadd.s32 $0xFFFFF800  }
0x67: {  	[spmem:s13] =	stream.linear.scatter [tilespmem:s25], [sflag:$0x5], $0x2000, $0x38;
	[tilespmem:$0x1D650] =	vst v63  }
0x68: {  	_ =	swait.ge [sflag:s23], $0x2000  }
0x69: {  	[sflag:s23] =	ssyncset.done $0x0  }
0x6a: {  	s14 =	rddreg [dreg:$0xd];
	[sflag:s23] =	ssyncadd.s32 $0xFFFFE000  }
0x6b: {  	[spmem:s14] =	stream.linear.scatter [tilespmem:s26], [sflag:$0x5], $0x800, $0x38;
	[tilespmem:$0x1D650] =	vst v63  }
0x6c: {  	_ =	swait.ge [sflag:s23], $0x800  }
0x6d: {  	[sflag:s23] =	ssyncset.done $0x0  }
0x6e: {  	[sflag:s23] =	ssyncadd.s32 $0xFFFFF800  }
0x6f: {  	[spmem:s18] =	stream.linear.scatter [tilespmem:s25], [sflag:$0x5], $0x2000, $0x38;
	[tilespmem:$0x1D650] =	vst v63  }
0x70: {  	_ =	swait.ge [sflag:s23], $0x2000  }
0x71: {  	[sflag:s23] =	ssyncset.done $0x0  }
0x72: {  	[sflag:s23] =	ssyncadd.s32 $0xFFFFE000  }
0x73: {  	[spmem:s19] =	stream.linear.scatter [tilespmem:s26], [sflag:$0x5], $0x800, $0x38;
	[tilespmem:$0x1D650] =	vst v63  }
0x74: {  	_ =	swait.ge [sflag:s23], $0x800  }
0x75: {  	[sflag:s23] =	ssyncset.done $0x0  }
0x76: {  	[sflag:s23] =	ssyncadd.s32 $0xFFFFF800  }
0x77: {  	s15 =	simm.s32 $0x0;
	[bflag:$0x0] =	sbarrier.arrive $0xFFFF  }
0x78: {  	[tilespmem:s29], [sflag:$0x1] =	stream.indirect.gather [hbm4b:s1+s28], $0x40, s15, s28, $0xb8;
	[tilespmem:$0x1D650] =	vst v63  }
0x79: {  	s16 =	simm.s32 $0x80  }
0x7a: {  	[tilespmem:s31], [sflag:$0x2] =	stream.indirect.gather [hbm4b:s1+s28], $0x40, s16, s28, $0xb8;
	[tilespmem:$0x1D650] =	vst v63  }
0x7b: {  	p1 =	sgt.u32 s6, $0x0;
	_ =	swait.ge [sflag:s3], $0x1F40  }
0x7c: {  	p2 =	sle.u32 @!p1 s7, $0x0;
	[sflag:s3] =	ssyncset.done $0x0  }
0x7d: {  	p1 =	por p2, p1;
	s8 =	simm.s32 $0x5000;
	[sflag:s3] =	ssyncadd.s32 $0xFFFFE0C0  }
0x7e: {  	[spmem:s2] =	stream.indirect.scatter.add.f32 [tilespmem:s29], [sflag:$0x3], $0x40, s8, s28, $0xb8;
	[tilespmem:$0x1D650] =	vst v63  }
0x7f: {  	s9 =	simm.s32 @!p1 $0x7D;
	s12 =	simm.s32 @!p1 $0xFE80  }
0x80: {  	[spmem:s4] =	stream.indirect.scatter.add.f32 @!p1 [tilespmem:s12], [sflag:$0x5], $0x10, s8, s9, $0xb8;
	[tilespmem:$0x1D650] =	vst v63  }
0x81: {  	s8 =	simm.s32 @!p1 $0x5  }
0x82: {  	_ =	swait.ge @!p1 [sflag:s8], $0x7D0  }
0x83: {  	[sflag:s8] =	ssyncset.done @!p1 $0x0  }
0x84: {  	[sflag:s8] =	ssyncadd.s32 @!p1 $0xFFFFF830  }
0x85: {  	_ =	swait.ge [sflag:s24], $0x1F40  }
0x86: {  	[sflag:s24] =	ssyncset.done $0x0  }
0x87: {  	s17 =	simm.s32 $0x100;
	[sflag:s24] =	ssyncadd.s32 $0xFFFFE0C0  }
0x88: {  	[tilespmem:s29], [sflag:$0x1] =	stream.indirect.gather [hbm4b:s1+s28], $0x40, s17, s28, $0xb8;
	[tilespmem:$0x1D650] =	vst v63  }
0x89: {  	p1 =	sgt.u32 s6, $0x1;
	_ =	swait.ge [sflag:s0], $0x1F40  }
0x8a: {  	p2 =	sle.u32 @!p1 s7, $0x1;
	[sflag:s0] =	ssyncset.done $0x0  }
0x8b: {  	s8 =	simm.s32 $0x5080;
	p1 =	por p2, p1;
	[sflag:s0] =	ssyncadd.s32 $0xFFFFE0C0  }
0x8c: {  	[spmem:s2] =	stream.indirect.scatter.add.f32 [tilespmem:s31], [sflag:$0x4], $0x40, s8, s28, $0xb8;
	[tilespmem:$0x1D650] =	vst v63  }
0x8d: {  	s9 =	simm.s32 @!p1 $0x7D;
	s12 =	simm.s32 @!p1 $0xFE80  }
0x8e: {  	[spmem:s4] =	stream.indirect.scatter.add.f32 @!p1 [tilespmem:s12], [sflag:$0x5], $0x10, s8, s9, $0xb8;
	[tilespmem:$0x1D650] =	vst v63  }
0x8f: {  	s9 =	simm.s32 @!p1 $0x5  }
0x90: {  	_ =	swait.ge @!p1 [sflag:s9], $0x7D0  }
0x91: {  	[sflag:s9] =	ssyncset.done @!p1 $0x0  }
0x92: {  	s8 =	simm.s32 $0x1;
	[sflag:s9] =	ssyncadd.s32 @!p1 $0xFFFFF830  }
0x93: {  	s12 =	simm.s32 $0x180;
	s9 =	simm.s32 $0x400;
	_ =	swait.ge [sflag:s30], $0x1F40  }
.LBB2_8:
0x94: {  	[sflag:s30] =	ssyncset.done $0x0  }
0x95: {  	s8 =	sadd.s32 $0x2, s8;
	s13 =	smov.u32 s9;
	s9 =	sadd.s32 $0x400, s9  }
0x96: {  	s14 =	sadd.s32 $0xFFFFFFFF, s8;
	p1 =	sne.s32 s9, $0x13C00;
	[sflag:s30] =	ssyncadd.s32 $0xFFFFE0C0  }
0x97: {  	[tilespmem:s31], [sflag:$0x2] =	stream.indirect.gather [hbm4b:s1+s28], $0x40, s12, s28, $0xb8;
	[tilespmem:$0x1D650] =	vst v63  }
0x98: {  	s13 =	sshra.s32 s13, $0x2;
	p2 =	slt.u32 s14, s6;
	_ =	swait.ge [sflag:s3], $0x1F40  }
0x99: {  	s15 =	sadd.s32 $0x5000, s13;
	p3 =	sge.u32 @!p2 s14, s7;
	[sflag:s3] =	ssyncset.done $0x0  }
0x9a: {  	s12 =	sadd.s32 $0x180, s13;
	p2 =	por p3, p2;
	[sflag:s3] =	ssyncadd.s32 $0xFFFFE0C0  }
0x9b: {  	[spmem:s2] =	stream.indirect.scatter.add.f32 [tilespmem:s29], [sflag:$0x3], $0x40, s15, s28, $0xb8;
	[tilespmem:$0x1D650] =	vst v63  }
0x9c: {  	s14 =	simm.s32 @!p2 $0x7D;
	s16 =	simm.s32 @!p2 $0xFE80;
	s17 =	simm.s32 @!p2 $0x5  }
0x9d: {  	[spmem:s4] =	stream.indirect.scatter.add.f32 @!p2 [tilespmem:s16], [sflag:$0x5], $0x10, s15, s14, $0xb8;
	[tilespmem:$0x1D650] =	vst v63  }
0x9e: {  	_ =	swait.ge @!p2 [sflag:s17], $0x7D0  }
0x9f: {  	[sflag:s17] =	ssyncset.done @!p2 $0x0  }
0xa0: {  	[sflag:s17] =	ssyncadd.s32 @!p2 $0xFFFFF830  }
0xa1: {  	_ =	swait.ge [sflag:s24], $0x1F40  }
0xa2: {  	s14 =	sadd.s32 $0x100, s13;
	[sflag:s24] =	ssyncset.done $0x0  }
0xa3: {  	[sflag:s24] =	ssyncadd.s32 $0xFFFFE0C0  }
0xa4: {  	[tilespmem:s29], [sflag:$0x1] =	stream.indirect.gather [hbm4b:s1+s28], $0x40, s14, s28, $0xb8;
	[tilespmem:$0x1D650] =	vst v63  }
0xa5: {  	p2 =	slt.u32 s8, s6;
	_ =	swait.ge [sflag:s0], $0x1F40  }
0xa6: {  	s13 =	sadd.s32 $0x5080, s13;
	p3 =	sge.u32 @!p2 s8, s7;
	[sflag:s0] =	ssyncset.done $0x0  }
0xa7: {  	p2 =	por p3, p2;
	[sflag:s0] =	ssyncadd.s32 $0xFFFFE0C0  }
0xa8: {  	s15 =	simm.s32 @!p2 $0xFE80;
	s14 =	simm.s32 @!p2 $0x7D  }
0xa9: {  	[spmem:s2] =	stream.indirect.scatter.add.f32 [tilespmem:s31], [sflag:$0x4], $0x40, s13, s28, $0xb8;
	[tilespmem:$0x1D650] =	vst v63  }
0xaa: {  	s16 =	simm.s32 @!p2 $0x5  }
0xab: {  	[spmem:s4] =	stream.indirect.scatter.add.f32 @!p2 [tilespmem:s15], [sflag:$0x5], $0x10, s13, s14, $0xb8;
	[tilespmem:$0x1D650] =	vst v63  }
.Ltmp3:
0xac: {  	_ = 	snop;
	(pc) =	sbr.rel @p1 .LBB2_8-.Ltmp3, $4  }
0xad: {  	_ =	swait.ge @!p2 [sflag:s16], $0x7D0  }
0xae: {  	[sflag:s16] =	ssyncset.done @!p2 $0x0  }
0xaf: {  	[sflag:s16] =	ssyncadd.s32 @!p2 $0xFFFFF830  }
0xb0: {  	_ =	swait.ge [sflag:s30], $0x1F40  }
0xb1: {  	[sflag:s30] =	ssyncset.done $0x0  }
0xb2: {  	[sflag:s30] =	ssyncadd.s32 $0xFFFFE0C0  }
0xb3: {  	[tilespmem:s31], [sflag:$0x2] =	stream.indirect.gather [hbm4b:s1+s28], $0x40, s12, s28, $0xb8;
	[tilespmem:$0x1D650] =	vst v63  }
0xb4: {  	_ =	swait.ge [sflag:s3], $0x1F40  }
0xb5: {  	[sflag:s3] =	ssyncset.done $0x0  }
0xb6: {  	s8 =	simm.s32 $0x9F00;
	[sflag:s3] =	ssyncadd.s32 $0xFFFFE0C0  }
0xb7: {  	[spmem:s2] =	stream.indirect.scatter.add.f32 [tilespmem:s29], [sflag:$0x3], $0x40, s8, s28, $0xb8;
	[tilespmem:$0x1D650] =	vst v63  }
0xb8: {  	s8 =	simm.s32 @!p0 $0x2  }
0xb9: {  	_ =	swait.ge @!p0 [sflag:s8], $0x1F40  }
0xba: {  	s9 =	simm.s32 @!p0 $0x9F80;
	[sflag:s8] =	ssyncset.done @!p0 $0x0  }
0xbb: {  	s12 =	simm.s32 @!p0 $0xBF40;
	[sflag:s8] =	ssyncadd.s32 @!p0 $0xFFFFE0C0;
	s8 =	simm.s32 @!p0 $0x7D  }
0xbc: {  	[spmem:s2] =	stream.indirect.scatter.add.f32 @!p0 [tilespmem:s12], [sflag:$0x4], $0x40, s9, s8, $0xb8;
	[tilespmem:$0x1D650] =	vst v63  }
0xbd: {  	s8 =	simm.s32 @p0 $0x7D;
	s9 =	simm.s32 @p0 $0x9F00;
	s12 =	simm.s32 @p0 $0xFE80  }
0xbe: {  	[spmem:s4] =	stream.indirect.scatter.add.f32 @p0 [tilespmem:s12], [sflag:$0x5], $0x10, s9, s8, $0xb8;
	[tilespmem:$0x1D650] =	vst v63  }
0xbf: {  	s9 =	simm.s32 @p0 $0x5  }
0xc0: {  	_ =	swait.ge @p0 [sflag:s9], $0x7D0  }
0xc1: {  	[sflag:s9] =	ssyncset.done @p0 $0x0  }
0xc2: {  	s13 =	simm.s32 @p0 $0x2;
	[sflag:s9] =	ssyncadd.s32 @p0 $0xFFFFF830  }
0xc3: {  	_ =	swait.ge @p0 [sflag:s13], $0x1F40  }
0xc4: {  	[sflag:s13] =	ssyncset.done @p0 $0x0  }
0xc5: {  	s14 =	simm.s32 @p0 $0xBF40;
	[sflag:s13] =	ssyncadd.s32 @p0 $0xFFFFE0C0;
	s13 =	simm.s32 @p0 $0x9F80  }
0xc6: {  	[spmem:s2] =	stream.indirect.scatter.add.f32 @p0 [tilespmem:s14], [sflag:$0x4], $0x40, s13, s8, $0xb8;
	[tilespmem:$0x1D650] =	vst v63  }
0xc7: {  	_ = 	snop  }
0xc8: {  	[spmem:s4] =	stream.indirect.scatter.add.f32 @p0 [tilespmem:s12], [sflag:$0x5], $0x10, s13, s8, $0xb8;
	[tilespmem:$0x1D650] =	vst v63  }
0xc9: {  	_ =	swait.ge @p0 [sflag:s9], $0x7D0  }
0xca: {  	[sflag:s9] =	ssyncset.done @p0 $0x0  }
0xcb: {  	[sflag:s9] =	ssyncadd.s32 @p0 $0xFFFFF830  }
0xcc: {  	_ =	swait.ge [sflag:s24], $0x1F40  }
0xcd: {  	[sflag:s24] =	ssyncset.done $0x0  }
0xce: {  	[sflag:s24] =	ssyncadd.s32 $0xFFFFE0C0  }
0xcf: {  	_ =	swait.ge [sflag:s30], $0x1F40  }
0xd0: {  	s15 =	stileid.u32;
	[sflag:s30] =	ssyncset.done $0x0  }
0xd1: {  	s8 =	sshll.u32 s15, $0x6;
	[sflag:s30] =	ssyncadd.s32 $0xFFFFE0C0  }
0xd2: {  	s16 =	sshrl.u32 s10, $0x3;
	s8 =	sor.u32 $0x1C05, s8;
	[bflag:$0x0] =	sbarrier.arrive $0xFFFF  }
0xd3: {  	[hbm:s20], [sflag:s8] =	dma.local [spmem:s16], $0x1400  }
0xd4: {  	s5 =	sadd.s32 $0x1, s5;
	_ =	swait.ge [sflag:s23], $0x1400  }
0xd5: {  	p1 =	sne.s32 s5, s22;
	[sflag:s23] =	ssyncset.done $0x0  }
.Ltmp4:
0xd6: {  	s17 =	sshrl.u32 s11, $0x3;
	[sflag:s23] =	ssyncadd.s32 $0xFFFFEC00;
	(pc) =	sbr.rel @p1 .LBB2_1-.Ltmp4, $4  }
0xd7: {  	[hbm:s21], [sflag:s8] =	dma.local [spmem:s17], $0x500  }
0xd8: {  	_ =	swait.ge [sflag:s23], $0x500  }
0xd9: {  	[sflag:s23] =	ssyncset.done $0x0  }
0xda: {  	[sflag:s23] =	ssyncadd.s32 $0xFFFFFB00  }
0xdb: {  	_ =	sfence.sel $0x180000  }
0xdc: {  	[bflag:$0x0] =	sbarrier.arrive $0xFFFF  }
0xdd: {  	_ =	strace $0x90000047  }
0xde: {  	s0 =	stileid.u32;
	[bflag:$0x2] =	sbarrier.arrive $0xFFFF  }
0xdf: {  	p0 =	sne.s32 s0, $0x0;
	s0 =	rddreg [dreg:$0x5]  }
0xe0: {  	s0 =	sadd.s32 @!p0 $0x100000, s0  }
0xe1: {  	[sflag:s0] =	ssyncadd.tile.s32 @!p0 $0x1;
	_ =	shalt  }
.Lfunc_end2:
_tile_overlayer_lowered:
.L_overlay_start_2:
0xe2: {  	(tag) =	ssettag $0x2  }
0xe3: {  	s0 =	rddreg [dreg:$0x0];
	s2 =	stileid.u32  }
0xe4: {  	s1 =	rddreg [dreg:$0x1];
	p0 =	sne.s32 s2, $0x0  }
0xe5: {  	s3 =	rddreg [dreg:$0x2];
	[bflag:$0x3] =	sbarrier.arrive $0xFFFF;
	s2 =	simm.s32 @!p0 $0x1C05  }
0xe6: {  	[timem:s3], [sflag:s2] =	dma.local @!p0 [hbm:s0], s1  }
0xe7: {  	s0 =	simm.s32 @!p0 $0x5  }
0xe8: {  	_ =	swait.ge @!p0 [sflag:s0], s1  }
0xe9: {  	s1 =	ssub.s32 @!p0 $0x0, s1;
	[sflag:s0] =	ssyncset.done @!p0 $0x0  }
0xea: {  	[sflag:s0] =	ssyncadd.s32 @!p0 s1  }
0xeb: {  	[bflag:$0x3] =	sbarrier.arrive $0xFFFF  }
0xec: {  	_ =	shalt  }

</sc_bundles>
